<compile_context>
chip_gen: v7x
topology: tpu7x:2x2x1
jax: 0.10.2.dev20260603
libtpu: 0.0.44.dev20260713+nightly
codegen_flags: <defaults>
</compile_context>

<pallas_src>
import functools
import math

import jax
import jax.numpy as jnp
from jax import lax
from jax.experimental import pallas as pl
from jax.experimental.pallas import tpu as pltpu
from jax.experimental.pallas import tpu_sc as plsc

B_TOK = 4096
T_SEQ = 200
D_EMBED = 64
VOCAB = 1000
SCALE = math.sqrt(float(D_EMBED))

NUM_CORES = 2
NUM_SUBCORES = 16
NUM_WORKERS = NUM_CORES * NUM_SUBCORES

LANES = 16
BPW = B_TOK // NUM_WORKERS
CI_GROUPS = BPW // LANES
SUB = D_EMBED // 8
KGRP = B_TOK // 128


def _make_lookup():
    mesh = plsc.VectorSubcoreMesh(
        core_axis_name="c", subcore_axis_name="s",
        num_cores=NUM_CORES, num_subcores=NUM_SUBCORES,
    )

    @functools.partial(
        pl.kernel,
        out_type=jax.ShapeDtypeStruct((T_SEQ, SUB, KGRP, 8, 128), jnp.float32),
        mesh=mesh,
        scratch_types=[
            pltpu.VMEM((65024,), jnp.float32),
            pltpu.VMEM((T_SEQ, BPW), jnp.int32),
            pltpu.VMEM((2, SUB, 1, 8, 128), jnp.float32),
            pltpu.SemaphoreType.DMA((2,)),
        ],
        compiler_params=pltpu.CompilerParams(
            use_tc_tiling_on_sc=False, needs_layout_passes=False),
    )
    def lookup_kernel(xt_hbm, tbl_hbm, out_hbm, tbl_v, idx_v, qbuf, sem):
        wid = lax.axis_index("s") * NUM_CORES + lax.axis_index("c")
        b0 = wid * BPW

        pltpu.sync_copy(tbl_hbm, tbl_v.at[pl.ds(0, VOCAB * (D_EMBED + 1))])
        pltpu.sync_copy(xt_hbm.at[:, pl.ds(b0, BPW)], idx_v)

        def scale_body(i, carry):
            off = i * (8 * LANES)
            for u in range(8):
                sl = pl.ds(off + u * LANES, LANES)
                tbl_v[sl] = tbl_v[sl] * SCALE
            return carry

        lax.fori_loop(0, 65024 // (8 * LANES), scale_body, 0)

        tbl_flat = tbl_v

        def compute_t(t, buf):
            for ci in range(CI_GROUPS):
                idxvec = idx_v[t, pl.ds(ci * LANES, LANES)]
                base = idxvec * (D_EMBED + 1)

                @plsc.parallel_loop(0, D_EMBED, unroll=8)
                def d_body(d):
                    val = plsc.load_gather(tbl_flat, [base + d])
                    qbuf[buf, d >> 3, 0, d & 7, pl.ds(ci * LANES, LANES)] = val

        def store_copy(t, buf):
            return pltpu.make_async_copy(
                qbuf.at[buf], out_hbm.at[t, :, pl.ds(wid, 1)], sem.at[buf])

        def pair_body(g, carry):
            for buf in range(2):
                t = g * 2 + buf

                @pl.when(g > 0)
                def _():
                    store_copy(t - 2, buf).wait()

                compute_t(t, buf)
                store_copy(t, buf).start()
            return carry

        lax.fori_loop(0, T_SEQ // 2, pair_body, 0)

        for buf in range(2):
            store_copy(T_SEQ - 2 + buf, buf).wait()

    return lookup_kernel


_lookup = _make_lookup()


@jax.jit
def kernel(x, table):
    xt = jnp.transpose(x)
    tbl_pad = jnp.pad(table, ((0, 0), (0, 1))).reshape(-1)
    q = _lookup(xt, tbl_pad)
    return q.transpose((2, 4, 0, 1, 3)).reshape(B_TOK, T_SEQ, D_EMBED)

# --- scband reference (transcript-rebuilt; emitter-appended) ---
"""Pipeline reference for scband-embedding-79680233276103 (READ-ONLY COPY).

The authoritative reference and input builder live on the scoring server;
editing this copy changes nothing except your own understanding.
"""

import jax, jax.numpy as jnp
import numpy as np
import math

D_EMBED = 64
VOCAB = 1000

def setup_inputs(seed: int = 0) -> dict:
    key = jax.random.key(seed)
    k1, k2 = jax.random.split(key)
    x = jax.random.randint(k1, (4096, 200), 0, VOCAB, dtype=jnp.int32)
    table = jax.random.normal(k2, (VOCAB, D_EMBED), dtype=jnp.float32)
    return {"x": x, "table": table}

def reference(x, table):
    # nn.Embedding lookup scaled by sqrt(d_embed)
    out = jnp.take(table, x, axis=0) * math.sqrt(float(D_EMBED))
    return out

if __name__ == "__main__":
    import jax
    _d = setup_inputs()
    print(jax.jit(kernel)(*tuple(_d.values())))

</pallas_src>

<mosaic_0001>
#map = affine_map<(d0, d1) -> (0, 0)>
#map1 = affine_map<(d0, d1) -> (0)>
#map2 = affine_map<(d0, d1) -> (0, 0, 0, 0, 0)>
module attributes {stable_mosaic.version = 14 : i64} {
  func.func @lookup_kernel(%arg0: i32, %arg1: i32, %arg2: memref<200x4096xi32, #tpu.memory_space<hbm>>, %arg3: memref<65000xf32, #tpu.memory_space<hbm>>, %arg4: memref<200x8x32x8x128xf32, #tpu.memory_space<hbm>>, %arg5: memref<65024xf32, #tpu.memory_space<vmem>>, %arg6: memref<200x128xi32, #tpu.memory_space<vmem>>, %arg7: memref<2x8x1x8x128xf32, #tpu.memory_space<vmem>>, %arg8: memref<2x!tpu.dma_semaphore, #tpu.memory_space<semaphore_mem>>) attributes {dimension_semantics = [#tpu.dimension_semantics<core_parallel>, #tpu.dimension_semantics<subcore_parallel>], iteration_bounds = array<i64: 2, 16>, scalar_prefetch = 0 : i64, scratch_operands = 4 : i64, tpu.core_type = #tpu.core_type<sc_vector_subcore>, window_params = [{transform_indices = #map}, {transform_indices = #map1}, {transform_indices = #map2}]} {
    %mul3A = arith.constant 2 : i32
    %mul3A_0 = arith.muli %arg1, %mul3A : i32
    %add3A = arith.addi %mul3A_0, %arg0 : i32
    %mul3A_1 = arith.constant 128 : i32
    %mul3A_2 = arith.muli %add3A, %mul3A_1 : i32
    "tpu.region"() ({
      %run_scoped3A = tpu.sem_alloc : memref<!tpu.dma_semaphore, #tpu.memory_space<semaphore_mem>>
      %dma_start3A = arith.constant 0 : i32
      %dma_start3A_67 = tpu.memref_slice %arg5[%dma_start3A] : memref<65024xf32, #tpu.memory_space<vmem>> -> memref<65000xf32, #tpu.memory_space<vmem>>
      %dma_start3A_68 = arith.constant 0 : i32
      %dma_start3A_69 = tpu.memref_slice %arg5[%dma_start3A_68] : memref<65024xf32, #tpu.memory_space<vmem>> -> memref<65000xf32, #tpu.memory_space<vmem>>
      tpu.enqueue_dma source(%arg3 : memref<65000xf32, #tpu.memory_space<hbm>>) target(%dma_start3A_69 : memref<65000xf32, #tpu.memory_space<vmem>>) target_semaphore(%run_scoped3A : memref<!tpu.dma_semaphore, #tpu.memory_space<semaphore_mem>>)
      %dma_wait3A_70 = arith.constant 0 : i32
      %dma_wait3A_71 = tpu.memref_slice %arg5[%dma_wait3A_70] : memref<65024xf32, #tpu.memory_space<vmem>> -> memref<65000xf32, #tpu.memory_space<vmem>>
      %dma_wait3A_72 = arith.constant 0 : i32
      %dma_wait3A_73 = tpu.memref_slice %arg5[%dma_wait3A_72] : memref<65024xf32, #tpu.memory_space<vmem>> -> memref<65000xf32, #tpu.memory_space<vmem>>
      tpu.wait_dma2 semaphore(%run_scoped3A : memref<!tpu.dma_semaphore, #tpu.memory_space<semaphore_mem>>) src(%arg3 : memref<65000xf32, #tpu.memory_space<hbm>>) dst(%dma_wait3A_73 : memref<65000xf32, #tpu.memory_space<vmem>>)
      tpu.yield
    }) : () -> ()
    "tpu.region"() ({
      %run_scoped3A = tpu.sem_alloc : memref<!tpu.dma_semaphore, #tpu.memory_space<semaphore_mem>>
      %dma_start3A = arith.constant 0 : i32
      %dma_start3A_67 = tpu.memref_slice %arg2[%dma_start3A, %mul3A_2] : memref<200x4096xi32, #tpu.memory_space<hbm>> -> memref<200x128xi32, #tpu.memory_space<hbm>>
      %dma_start3A_68 = arith.constant 0 : i32
      %dma_start3A_69 = tpu.memref_slice %arg2[%dma_start3A_68, %mul3A_2] : memref<200x4096xi32, #tpu.memory_space<hbm>> -> memref<200x128xi32, #tpu.memory_space<hbm>>
      tpu.enqueue_dma source(%dma_start3A_69 : memref<200x128xi32, #tpu.memory_space<hbm>>) target(%arg6 : memref<200x128xi32, #tpu.memory_space<vmem>>) target_semaphore(%run_scoped3A : memref<!tpu.dma_semaphore, #tpu.memory_space<semaphore_mem>>)
      %dma_wait3A_70 = arith.constant 0 : i32
      %dma_wait3A_71 = tpu.memref_slice %arg2[%dma_wait3A_70, %mul3A_2] : memref<200x4096xi32, #tpu.memory_space<hbm>> -> memref<200x128xi32, #tpu.memory_space<hbm>>
      %dma_wait3A_72 = arith.constant 0 : i32
      %dma_wait3A_73 = tpu.memref_slice %arg2[%dma_wait3A_72, %mul3A_2] : memref<200x4096xi32, #tpu.memory_space<hbm>> -> memref<200x128xi32, #tpu.memory_space<hbm>>
      tpu.wait_dma2 semaphore(%run_scoped3A : memref<!tpu.dma_semaphore, #tpu.memory_space<semaphore_mem>>) src(%dma_wait3A_73 : memref<200x128xi32, #tpu.memory_space<hbm>>) dst(%arg6 : memref<200x128xi32, #tpu.memory_space<vmem>>)
      tpu.yield
    }) : () -> ()
    %scan3A = arith.constant 0 : i32
    %scan3A_3 = arith.constant 0 : i32
    %scan3A_4 = arith.constant 508 : i32
    %scan3A_5 = arith.addi %scan3A_3, %scan3A_4 : i32
    %scan3A_6 = arith.constant 1 : i32
    scf.for %scan3A_67 = %scan3A_3 to %scan3A_5 step %scan3A_6  : i32 {
      %mul3A_68 = arith.constant 128 : i32
      %mul3A_69 = arith.muli %scan3A_67, %mul3A_68 : i32
      %add3A_70 = arith.constant 0 : i32
      %add3A_71 = arith.addi %mul3A_69, %add3A_70 : i32
      %get3A = arith.index_cast %add3A_71 : i32 to index
      %get3A_72 = tpu.vector_load %arg5[%get3A] {strides = array<i32>} : memref<65024xf32, #tpu.memory_space<vmem>>, vector<16xf32>,
      %mul3A_73 = arith.constant 8.000000e+00 : f32
      %mul3A_74 = vector.broadcast %mul3A_73 : f32 to vector<16xf32>
      %mul3A_75 = arith.mulf %get3A_72, %mul3A_74 : vector<16xf32>
      %swap3A = arith.index_cast %add3A_71 : i32 to index
      %swap3A_76 = tpu.vector_load %arg5[%swap3A] {strides = array<i32>} : memref<65024xf32, #tpu.memory_space<vmem>>, vector<16xf32>,
      tpu.vector_store %arg5[%swap3A], %mul3A_75 {strides = array<i32>} : memref<65024xf32, #tpu.memory_space<vmem>>, vector<16xf32>,
      %add3A_77 = arith.constant 16 : i32
      %add3A_78 = arith.addi %mul3A_69, %add3A_77 : i32
      %get3A_79 = arith.index_cast %add3A_78 : i32 to index
      %get3A_80 = tpu.vector_load %arg5[%get3A_79] {strides = array<i32>} : memref<65024xf32, #tpu.memory_space<vmem>>, vector<16xf32>,
      %mul3A_81 = arith.constant 8.000000e+00 : f32
      %mul3A_82 = vector.broadcast %mul3A_81 : f32 to vector<16xf32>
      %mul3A_83 = arith.mulf %get3A_80, %mul3A_82 : vector<16xf32>
      %swap3A_84 = arith.index_cast %add3A_78 : i32 to index
      %swap3A_85 = tpu.vector_load %arg5[%swap3A_84] {strides = array<i32>} : memref<65024xf32, #tpu.memory_space<vmem>>, vector<16xf32>,
      tpu.vector_store %arg5[%swap3A_84], %mul3A_83 {strides = array<i32>} : memref<65024xf32, #tpu.memory_space<vmem>>, vector<16xf32>,
      %add3A_86 = arith.constant 32 : i32
      %add3A_87 = arith.addi %mul3A_69, %add3A_86 : i32
      %get3A_88 = arith.index_cast %add3A_87 : i32 to index
      %get3A_89 = tpu.vector_load %arg5[%get3A_88] {strides = array<i32>} : memref<65024xf32, #tpu.memory_space<vmem>>, vector<16xf32>,
      %mul3A_90 = arith.constant 8.000000e+00 : f32
      %mul3A_91 = vector.broadcast %mul3A_90 : f32 to vector<16xf32>
      %mul3A_92 = arith.mulf %get3A_89, %mul3A_91 : vector<16xf32>
      %swap3A_93 = arith.index_cast %add3A_87 : i32 to index
      %swap3A_94 = tpu.vector_load %arg5[%swap3A_93] {strides = array<i32>} : memref<65024xf32, #tpu.memory_space<vmem>>, vector<16xf32>,
      tpu.vector_store %arg5[%swap3A_93], %mul3A_92 {strides = array<i32>} : memref<65024xf32, #tpu.memory_space<vmem>>, vector<16xf32>,
      %add3A_95 = arith.constant 48 : i32
      %add3A_96 = arith.addi %mul3A_69, %add3A_95 : i32
      %get3A_97 = arith.index_cast %add3A_96 : i32 to index
      %get3A_98 = tpu.vector_load %arg5[%get3A_97] {strides = array<i32>} : memref<65024xf32, #tpu.memory_space<vmem>>, vector<16xf32>,
      %mul3A_99 = arith.constant 8.000000e+00 : f32
      %mul3A_100 = vector.broadcast %mul3A_99 : f32 to vector<16xf32>
      %mul3A_101 = arith.mulf %get3A_98, %mul3A_100 : vector<16xf32>
      %swap3A_102 = arith.index_cast %add3A_96 : i32 to index
      %swap3A_103 = tpu.vector_load %arg5[%swap3A_102] {strides = array<i32>} : memref<65024xf32, #tpu.memory_space<vmem>>, vector<16xf32>,
      tpu.vector_store %arg5[%swap3A_102], %mul3A_101 {strides = array<i32>} : memref<65024xf32, #tpu.memory_space<vmem>>, vector<16xf32>,
      %add3A_104 = arith.constant 64 : i32
      %add3A_105 = arith.addi %mul3A_69, %add3A_104 : i32
      %get3A_106 = arith.index_cast %add3A_105 : i32 to index
      %get3A_107 = tpu.vector_load %arg5[%get3A_106] {strides = array<i32>} : memref<65024xf32, #tpu.memory_space<vmem>>, vector<16xf32>,
      %mul3A_108 = arith.constant 8.000000e+00 : f32
      %mul3A_109 = vector.broadcast %mul3A_108 : f32 to vector<16xf32>
      %mul3A_110 = arith.mulf %get3A_107, %mul3A_109 : vector<16xf32>
      %swap3A_111 = arith.index_cast %add3A_105 : i32 to index
      %swap3A_112 = tpu.vector_load %arg5[%swap3A_111] {strides = array<i32>} : memref<65024xf32, #tpu.memory_space<vmem>>, vector<16xf32>,
      tpu.vector_store %arg5[%swap3A_111], %mul3A_110 {strides = array<i32>} : memref<65024xf32, #tpu.memory_space<vmem>>, vector<16xf32>,
      %add3A_113 = arith.constant 80 : i32
      %add3A_114 = arith.addi %mul3A_69, %add3A_113 : i32
      %get3A_115 = arith.index_cast %add3A_114 : i32 to index
      %get3A_116 = tpu.vector_load %arg5[%get3A_115] {strides = array<i32>} : memref<65024xf32, #tpu.memory_space<vmem>>, vector<16xf32>,
      %mul3A_117 = arith.constant 8.000000e+00 : f32
      %mul3A_118 = vector.broadcast %mul3A_117 : f32 to vector<16xf32>
      %mul3A_119 = arith.mulf %get3A_116, %mul3A_118 : vector<16xf32>
      %swap3A_120 = arith.index_cast %add3A_114 : i32 to index
      %swap3A_121 = tpu.vector_load %arg5[%swap3A_120] {strides = array<i32>} : memref<65024xf32, #tpu.memory_space<vmem>>, vector<16xf32>,
      tpu.vector_store %arg5[%swap3A_120], %mul3A_119 {strides = array<i32>} : memref<65024xf32, #tpu.memory_space<vmem>>, vector<16xf32>,
      %add3A_122 = arith.constant 96 : i32
      %add3A_123 = arith.addi %mul3A_69, %add3A_122 : i32
      %get3A_124 = arith.index_cast %add3A_123 : i32 to index
      %get3A_125 = tpu.vector_load %arg5[%get3A_124] {strides = array<i32>} : memref<65024xf32, #tpu.memory_space<vmem>>, vector<16xf32>,
      %mul3A_126 = arith.constant 8.000000e+00 : f32
      %mul3A_127 = vector.broadcast %mul3A_126 : f32 to vector<16xf32>
      %mul3A_128 = arith.mulf %get3A_125, %mul3A_127 : vector<16xf32>
      %swap3A_129 = arith.index_cast %add3A_123 : i32 to index
      %swap3A_130 = tpu.vector_load %arg5[%swap3A_129] {strides = array<i32>} : memref<65024xf32, #tpu.memory_space<vmem>>, vector<16xf32>,
      tpu.vector_store %arg5[%swap3A_129], %mul3A_128 {strides = array<i32>} : memref<65024xf32, #tpu.memory_space<vmem>>, vector<16xf32>,
      %add3A_131 = arith.constant 112 : i32
      %add3A_132 = arith.addi %mul3A_69, %add3A_131 : i32
      %get3A_133 = arith.index_cast %add3A_132 : i32 to index
      %get3A_134 = tpu.vector_load %arg5[%get3A_133] {strides = array<i32>} : memref<65024xf32, #tpu.memory_space<vmem>>, vector<16xf32>,
      %mul3A_135 = arith.constant 8.000000e+00 : f32
      %mul3A_136 = vector.broadcast %mul3A_135 : f32 to vector<16xf32>
      %mul3A_137 = arith.mulf %get3A_134, %mul3A_136 : vector<16xf32>
      %swap3A_138 = arith.index_cast %add3A_132 : i32 to index
      %swap3A_139 = tpu.vector_load %arg5[%swap3A_138] {strides = array<i32>} : memref<65024xf32, #tpu.memory_space<vmem>>, vector<16xf32>,
      tpu.vector_store %arg5[%swap3A_138], %mul3A_137 {strides = array<i32>} : memref<65024xf32, #tpu.memory_space<vmem>>, vector<16xf32>,
    }
    %scan3A_7 = arith.constant 508 : i32
    %scan3A_8 = arith.constant 0 : i32
    %scan3A_9 = arith.constant 0 : i32
    %scan3A_10 = arith.constant 100 : i32
    %scan3A_11 = arith.addi %scan3A_9, %scan3A_10 : i32
    %scan3A_12 = arith.constant 1 : i32
    scf.for %scan3A_67 = %scan3A_9 to %scan3A_11 step %scan3A_12  : i32 {
      %mul3A_68 = arith.constant 2 : i32
      %mul3A_69 = arith.muli %scan3A_67, %mul3A_68 : i32
      %add3A_70 = arith.constant 0 : i32
      %add3A_71 = arith.addi %mul3A_69, %add3A_70 : i32
      %gt3A = arith.constant 0 : i32
      %gt3A_72 = arith.cmpi sgt, %scan3A_67, %gt3A : i32
      %convert_element_type3A = arith.extui %gt3A_72 : i1 to i32
      %cond3A = arith.constant 0 : i32
      %cond3A_73 = arith.cmpi ne, %convert_element_type3A, %cond3A : i32
      scf.if %cond3A_73 {
        %sub3A = arith.constant 2 : i32
        %sub3A_276 = arith.subi %add3A_71, %sub3A : i32
        %dma_wait3A_277 = arith.constant 0 : i32
        %dma_wait3A_278 = arith.constant 0 : i32
        %dma_wait3A_279 = arith.constant 0 : i32
        %dma_wait3A_280 = arith.constant 0 : i32
        %dma_wait3A_281 = arith.constant 0 : i32
        %dma_wait3A_282 = arith.constant 0 : i32
        %dma_wait3A_283 = tpu.memref_slice %arg7[%dma_wait3A_277, %dma_wait3A_279, %dma_wait3A_280, %dma_wait3A_281, %dma_wait3A_282] : memref<2x8x1x8x128xf32, #tpu.memory_space<vmem>> -> memref<1x8x1x8x128xf32, #tpu.memory_space<vmem>>
        %dma_wait3A_284 = tpu.memref_squeeze %dma_wait3A_283 : memref<1x8x1x8x128xf32, #tpu.memory_space<vmem>> -> memref<8x1x8x128xf32, #tpu.memory_space<vmem>>
        %dma_wait3A_285 = arith.constant 0 : i32
        %dma_wait3A_286 = arith.constant 0 : i32
        %dma_wait3A_287 = arith.constant 0 : i32
        %dma_wait3A_288 = tpu.memref_slice %arg4[%sub3A_276, %dma_wait3A_285, %add3A, %dma_wait3A_286, %dma_wait3A_287] : memref<200x8x32x8x128xf32, #tpu.memory_space<hbm>> -> memref<1x8x1x8x128xf32, #tpu.memory_space<hbm>>
        %dma_wait3A_289 = tpu.memref_squeeze %dma_wait3A_288 : memref<1x8x1x8x128xf32, #tpu.memory_space<hbm>> -> memref<8x1x8x128xf32, #tpu.memory_space<hbm>>
        %dma_wait3A_290 = tpu.memref_slice %arg8[%dma_wait3A_278] : memref<2x!tpu.dma_semaphore, #tpu.memory_space<semaphore_mem>> -> memref<1x!tpu.dma_semaphore, #tpu.memory_space<semaphore_mem>>
        %dma_wait3A_291 = tpu.memref_squeeze %dma_wait3A_290 : memref<1x!tpu.dma_semaphore, #tpu.memory_space<semaphore_mem>> -> memref<!tpu.dma_semaphore, #tpu.memory_space<semaphore_mem>>
        %dma_wait3A_292 = arith.constant 0 : i32
        %dma_wait3A_293 = arith.constant 0 : i32
        %dma_wait3A_294 = arith.constant 0 : i32
        %dma_wait3A_295 = tpu.memref_slice %arg4[%sub3A_276, %dma_wait3A_292, %add3A, %dma_wait3A_293, %dma_wait3A_294] : memref<200x8x32x8x128xf32, #tpu.memory_space<hbm>> -> memref<1x8x1x8x128xf32, #tpu.memory_space<hbm>>
        %dma_wait3A_296 = tpu.memref_squeeze %dma_wait3A_295 : memref<1x8x1x8x128xf32, #tpu.memory_space<hbm>> -> memref<8x1x8x128xf32, #tpu.memory_space<hbm>>
        %dma_wait3A_297 = arith.constant 0 : i32
        %dma_wait3A_298 = arith.constant 0 : i32
        %dma_wait3A_299 = arith.constant 0 : i32
        %dma_wait3A_300 = arith.constant 0 : i32
        %dma_wait3A_301 = tpu.memref_slice %arg7[%dma_wait3A_277, %dma_wait3A_297, %dma_wait3A_298, %dma_wait3A_299, %dma_wait3A_300] : memref<2x8x1x8x128xf32, #tpu.memory_space<vmem>> -> memref<1x8x1x8x128xf32, #tpu.memory_space<vmem>>
        %dma_wait3A_302 = tpu.memref_squeeze %dma_wait3A_301 : memref<1x8x1x8x128xf32, #tpu.memory_space<vmem>> -> memref<8x1x8x128xf32, #tpu.memory_space<vmem>>
        tpu.wait_dma2 semaphore(%dma_wait3A_291 : memref<!tpu.dma_semaphore, #tpu.memory_space<semaphore_mem>>) src(%dma_wait3A_302 : memref<8x1x8x128xf32, #tpu.memory_space<vmem>>) dst(%dma_wait3A_296 : memref<8x1x8x128xf32, #tpu.memory_space<hbm>>)
      } else {
      }
      %get3A = arith.index_cast %add3A_71 : i32 to index
      %get3A_74 = arith.constant 0 : index
      %get3A_75 = tpu.vector_load %arg6[%get3A, %get3A_74] {strides = array<i32>} : memref<200x128xi32, #tpu.memory_space<vmem>>, vector<16xi32>,
      %mul3A_76 = arith.constant 65 : i32
      %mul3A_77 = vector.broadcast %mul3A_76 : i32 to vector<16xi32>
      %mul3A_78 = arith.muli %get3A_75, %mul3A_77 : vector<16xi32>
      %parallel_loop3A = arith.constant 0 : i32
      %parallel_loop3A_79 = arith.constant 64 : i32
      %parallel_loop3A_80 = arith.constant 1 : i32
      scf.for %parallel_loop3A_276 = %parallel_loop3A to %parallel_loop3A_79 step %parallel_loop3A_80  : i32 {
        %parallel_loop3A_277 = vector.broadcast %parallel_loop3A_276 : i32 to vector<16xi32>
        %parallel_loop3A_278 = arith.addi %mul3A_78, %parallel_loop3A_277 : vector<16xi32>
        %parallel_loop3A_279 = tpu.vector_load_idx %arg5[%parallel_loop3A_278] : memref<65024xf32, #tpu.memory_space<vmem>>[vector<16xi32>], vector<16xf32>,
        %parallel_loop3A_280 = arith.constant 3 : i32
        %parallel_loop3A_281 = arith.shrsi %parallel_loop3A_276, %parallel_loop3A_280 : i32
        %parallel_loop3A_282 = arith.constant 7 : i32
        %parallel_loop3A_283 = arith.andi %parallel_loop3A_276, %parallel_loop3A_282 : i32
        %parallel_loop3A_284 = arith.constant 0 : i32
        %parallel_loop3A_285 = arith.constant 0 : i32
        %parallel_loop3A_286 = arith.index_cast %parallel_loop3A_284 : i32 to index
        %parallel_loop3A_287 = arith.index_cast %parallel_loop3A_281 : i32 to index
        %parallel_loop3A_288 = arith.index_cast %parallel_loop3A_285 : i32 to index
        %parallel_loop3A_289 = arith.index_cast %parallel_loop3A_283 : i32 to index
        %parallel_loop3A_290 = arith.constant 0 : index
        %parallel_loop3A_291 = tpu.vector_load %arg7[%parallel_loop3A_286, %parallel_loop3A_287, %parallel_loop3A_288, %parallel_loop3A_289, %parallel_loop3A_290] {strides = array<i32>} : memref<2x8x1x8x128xf32, #tpu.memory_space<vmem>>, vector<16xf32>,
        tpu.vector_store %arg7[%parallel_loop3A_286, %parallel_loop3A_287, %parallel_loop3A_288, %parallel_loop3A_289, %parallel_loop3A_290], %parallel_loop3A_279 {strides = array<i32>} : memref<2x8x1x8x128xf32, #tpu.memory_space<vmem>>, vector<16xf32>,
      } {sc.loop_unroll_factor = 8 : i64, sc.parallel_access}
      %get3A_81 = arith.index_cast %add3A_71 : i32 to index
      %get3A_82 = arith.constant 16 : index
      %get3A_83 = tpu.vector_load %arg6[%get3A_81, %get3A_82] {strides = array<i32>} : memref<200x128xi32, #tpu.memory_space<vmem>>, vector<16xi32>,
      %mul3A_84 = arith.constant 65 : i32
      %mul3A_85 = vector.broadcast %mul3A_84 : i32 to vector<16xi32>
      %mul3A_86 = arith.muli %get3A_83, %mul3A_85 : vector<16xi32>
      %parallel_loop3A_87 = arith.constant 0 : i32
      %parallel_loop3A_88 = arith.constant 64 : i32
      %parallel_loop3A_89 = arith.constant 1 : i32
      scf.for %parallel_loop3A_276 = %parallel_loop3A_87 to %parallel_loop3A_88 step %parallel_loop3A_89  : i32 {
        %parallel_loop3A_277 = vector.broadcast %parallel_loop3A_276 : i32 to vector<16xi32>
        %parallel_loop3A_278 = arith.addi %mul3A_86, %parallel_loop3A_277 : vector<16xi32>
        %parallel_loop3A_279 = tpu.vector_load_idx %arg5[%parallel_loop3A_278] : memref<65024xf32, #tpu.memory_space<vmem>>[vector<16xi32>], vector<16xf32>,
        %parallel_loop3A_280 = arith.constant 3 : i32
        %parallel_loop3A_281 = arith.shrsi %parallel_loop3A_276, %parallel_loop3A_280 : i32
        %parallel_loop3A_282 = arith.constant 7 : i32
        %parallel_loop3A_283 = arith.andi %parallel_loop3A_276, %parallel_loop3A_282 : i32
        %parallel_loop3A_284 = arith.constant 0 : i32
        %parallel_loop3A_285 = arith.constant 0 : i32
        %parallel_loop3A_286 = arith.index_cast %parallel_loop3A_284 : i32 to index
        %parallel_loop3A_287 = arith.index_cast %parallel_loop3A_281 : i32 to index
        %parallel_loop3A_288 = arith.index_cast %parallel_loop3A_285 : i32 to index
        %parallel_loop3A_289 = arith.index_cast %parallel_loop3A_283 : i32 to index
        %parallel_loop3A_290 = arith.constant 16 : index
        %parallel_loop3A_291 = tpu.vector_load %arg7[%parallel_loop3A_286, %parallel_loop3A_287, %parallel_loop3A_288, %parallel_loop3A_289, %parallel_loop3A_290] {strides = array<i32>} : memref<2x8x1x8x128xf32, #tpu.memory_space<vmem>>, vector<16xf32>,
        tpu.vector_store %arg7[%parallel_loop3A_286, %parallel_loop3A_287, %parallel_loop3A_288, %parallel_loop3A_289, %parallel_loop3A_290], %parallel_loop3A_279 {strides = array<i32>} : memref<2x8x1x8x128xf32, #tpu.memory_space<vmem>>, vector<16xf32>,
      } {sc.loop_unroll_factor = 8 : i64, sc.parallel_access}
      %get3A_90 = arith.index_cast %add3A_71 : i32 to index
      %get3A_91 = arith.constant 32 : index
      %get3A_92 = tpu.vector_load %arg6[%get3A_90, %get3A_91] {strides = array<i32>} : memref<200x128xi32, #tpu.memory_space<vmem>>, vector<16xi32>,
      %mul3A_93 = arith.constant 65 : i32
      %mul3A_94 = vector.broadcast %mul3A_93 : i32 to vector<16xi32>
      %mul3A_95 = arith.muli %get3A_92, %mul3A_94 : vector<16xi32>
      %parallel_loop3A_96 = arith.constant 0 : i32
      %parallel_loop3A_97 = arith.constant 64 : i32
      %parallel_loop3A_98 = arith.constant 1 : i32
      scf.for %parallel_loop3A_276 = %parallel_loop3A_96 to %parallel_loop3A_97 step %parallel_loop3A_98  : i32 {
        %parallel_loop3A_277 = vector.broadcast %parallel_loop3A_276 : i32 to vector<16xi32>
        %parallel_loop3A_278 = arith.addi %mul3A_95, %parallel_loop3A_277 : vector<16xi32>
        %parallel_loop3A_279 = tpu.vector_load_idx %arg5[%parallel_loop3A_278] : memref<65024xf32, #tpu.memory_space<vmem>>[vector<16xi32>], vector<16xf32>,
        %parallel_loop3A_280 = arith.constant 3 : i32
        %parallel_loop3A_281 = arith.shrsi %parallel_loop3A_276, %parallel_loop3A_280 : i32
        %parallel_loop3A_282 = arith.constant 7 : i32
        %parallel_loop3A_283 = arith.andi %parallel_loop3A_276, %parallel_loop3A_282 : i32
        %parallel_loop3A_284 = arith.constant 0 : i32
        %parallel_loop3A_285 = arith.constant 0 : i32
        %parallel_loop3A_286 = arith.index_cast %parallel_loop3A_284 : i32 to index
        %parallel_loop3A_287 = arith.index_cast %parallel_loop3A_281 : i32 to index
        %parallel_loop3A_288 = arith.index_cast %parallel_loop3A_285 : i32 to index
        %parallel_loop3A_289 = arith.index_cast %parallel_loop3A_283 : i32 to index
        %parallel_loop3A_290 = arith.constant 32 : index
        %parallel_loop3A_291 = tpu.vector_load %arg7[%parallel_loop3A_286, %parallel_loop3A_287, %parallel_loop3A_288, %parallel_loop3A_289, %parallel_loop3A_290] {strides = array<i32>} : memref<2x8x1x8x128xf32, #tpu.memory_space<vmem>>, vector<16xf32>,
        tpu.vector_store %arg7[%parallel_loop3A_286, %parallel_loop3A_287, %parallel_loop3A_288, %parallel_loop3A_289, %parallel_loop3A_290], %parallel_loop3A_279 {strides = array<i32>} : memref<2x8x1x8x128xf32, #tpu.memory_space<vmem>>, vector<16xf32>,
      } {sc.loop_unroll_factor = 8 : i64, sc.parallel_access}
      %get3A_99 = arith.index_cast %add3A_71 : i32 to index
      %get3A_100 = arith.constant 48 : index
      %get3A_101 = tpu.vector_load %arg6[%get3A_99, %get3A_100] {strides = array<i32>} : memref<200x128xi32, #tpu.memory_space<vmem>>, vector<16xi32>,
      %mul3A_102 = arith.constant 65 : i32
      %mul3A_103 = vector.broadcast %mul3A_102 : i32 to vector<16xi32>
      %mul3A_104 = arith.muli %get3A_101, %mul3A_103 : vector<16xi32>
      %parallel_loop3A_105 = arith.constant 0 : i32
      %parallel_loop3A_106 = arith.constant 64 : i32
      %parallel_loop3A_107 = arith.constant 1 : i32
      scf.for %parallel_loop3A_276 = %parallel_loop3A_105 to %parallel_loop3A_106 step %parallel_loop3A_107  : i32 {
        %parallel_loop3A_277 = vector.broadcast %parallel_loop3A_276 : i32 to vector<16xi32>
        %parallel_loop3A_278 = arith.addi %mul3A_104, %parallel_loop3A_277 : vector<16xi32>
        %parallel_loop3A_279 = tpu.vector_load_idx %arg5[%parallel_loop3A_278] : memref<65024xf32, #tpu.memory_space<vmem>>[vector<16xi32>], vector<16xf32>,
        %parallel_loop3A_280 = arith.constant 3 : i32
        %parallel_loop3A_281 = arith.shrsi %parallel_loop3A_276, %parallel_loop3A_280 : i32
        %parallel_loop3A_282 = arith.constant 7 : i32
        %parallel_loop3A_283 = arith.andi %parallel_loop3A_276, %parallel_loop3A_282 : i32
        %parallel_loop3A_284 = arith.constant 0 : i32
        %parallel_loop3A_285 = arith.constant 0 : i32
        %parallel_loop3A_286 = arith.index_cast %parallel_loop3A_284 : i32 to index
        %parallel_loop3A_287 = arith.index_cast %parallel_loop3A_281 : i32 to index
        %parallel_loop3A_288 = arith.index_cast %parallel_loop3A_285 : i32 to index
        %parallel_loop3A_289 = arith.index_cast %parallel_loop3A_283 : i32 to index
        %parallel_loop3A_290 = arith.constant 48 : index
        %parallel_loop3A_291 = tpu.vector_load %arg7[%parallel_loop3A_286, %parallel_loop3A_287, %parallel_loop3A_288, %parallel_loop3A_289, %parallel_loop3A_290] {strides = array<i32>} : memref<2x8x1x8x128xf32, #tpu.memory_space<vmem>>, vector<16xf32>,
        tpu.vector_store %arg7[%parallel_loop3A_286, %parallel_loop3A_287, %parallel_loop3A_288, %parallel_loop3A_289, %parallel_loop3A_290], %parallel_loop3A_279 {strides = array<i32>} : memref<2x8x1x8x128xf32, #tpu.memory_space<vmem>>, vector<16xf32>,
      } {sc.loop_unroll_factor = 8 : i64, sc.parallel_access}
      %get3A_108 = arith.index_cast %add3A_71 : i32 to index
      %get3A_109 = arith.constant 64 : index
      %get3A_110 = tpu.vector_load %arg6[%get3A_108, %get3A_109] {strides = array<i32>} : memref<200x128xi32, #tpu.memory_space<vmem>>, vector<16xi32>,
      %mul3A_111 = arith.constant 65 : i32
      %mul3A_112 = vector.broadcast %mul3A_111 : i32 to vector<16xi32>
      %mul3A_113 = arith.muli %get3A_110, %mul3A_112 : vector<16xi32>
      %parallel_loop3A_114 = arith.constant 0 : i32
      %parallel_loop3A_115 = arith.constant 64 : i32
      %parallel_loop3A_116 = arith.constant 1 : i32
      scf.for %parallel_loop3A_276 = %parallel_loop3A_114 to %parallel_loop3A_115 step %parallel_loop3A_116  : i32 {
        %parallel_loop3A_277 = vector.broadcast %parallel_loop3A_276 : i32 to vector<16xi32>
        %parallel_loop3A_278 = arith.addi %mul3A_113, %parallel_loop3A_277 : vector<16xi32>
        %parallel_loop3A_279 = tpu.vector_load_idx %arg5[%parallel_loop3A_278] : memref<65024xf32, #tpu.memory_space<vmem>>[vector<16xi32>], vector<16xf32>,
        %parallel_loop3A_280 = arith.constant 3 : i32
        %parallel_loop3A_281 = arith.shrsi %parallel_loop3A_276, %parallel_loop3A_280 : i32
        %parallel_loop3A_282 = arith.constant 7 : i32
        %parallel_loop3A_283 = arith.andi %parallel_loop3A_276, %parallel_loop3A_282 : i32
        %parallel_loop3A_284 = arith.constant 0 : i32
        %parallel_loop3A_285 = arith.constant 0 : i32
        %parallel_loop3A_286 = arith.index_cast %parallel_loop3A_284 : i32 to index
        %parallel_loop3A_287 = arith.index_cast %parallel_loop3A_281 : i32 to index
        %parallel_loop3A_288 = arith.index_cast %parallel_loop3A_285 : i32 to index
        %parallel_loop3A_289 = arith.index_cast %parallel_loop3A_283 : i32 to index
        %parallel_loop3A_290 = arith.constant 64 : index
        %parallel_loop3A_291 = tpu.vector_load %arg7[%parallel_loop3A_286, %parallel_loop3A_287, %parallel_loop3A_288, %parallel_loop3A_289, %parallel_loop3A_290] {strides = array<i32>} : memref<2x8x1x8x128xf32, #tpu.memory_space<vmem>>, vector<16xf32>,
        tpu.vector_store %arg7[%parallel_loop3A_286, %parallel_loop3A_287, %parallel_loop3A_288, %parallel_loop3A_289, %parallel_loop3A_290], %parallel_loop3A_279 {strides = array<i32>} : memref<2x8x1x8x128xf32, #tpu.memory_space<vmem>>, vector<16xf32>,
      } {sc.loop_unroll_factor = 8 : i64, sc.parallel_access}
      %get3A_117 = arith.index_cast %add3A_71 : i32 to index
      %get3A_118 = arith.constant 80 : index
      %get3A_119 = tpu.vector_load %arg6[%get3A_117, %get3A_118] {strides = array<i32>} : memref<200x128xi32, #tpu.memory_space<vmem>>, vector<16xi32>,
      %mul3A_120 = arith.constant 65 : i32
      %mul3A_121 = vector.broadcast %mul3A_120 : i32 to vector<16xi32>
      %mul3A_122 = arith.muli %get3A_119, %mul3A_121 : vector<16xi32>
      %parallel_loop3A_123 = arith.constant 0 : i32
      %parallel_loop3A_124 = arith.constant 64 : i32
      %parallel_loop3A_125 = arith.constant 1 : i32
      scf.for %parallel_loop3A_276 = %parallel_loop3A_123 to %parallel_loop3A_124 step %parallel_loop3A_125  : i32 {
        %parallel_loop3A_277 = vector.broadcast %parallel_loop3A_276 : i32 to vector<16xi32>
        %parallel_loop3A_278 = arith.addi %mul3A_122, %parallel_loop3A_277 : vector<16xi32>
        %parallel_loop3A_279 = tpu.vector_load_idx %arg5[%parallel_loop3A_278] : memref<65024xf32, #tpu.memory_space<vmem>>[vector<16xi32>], vector<16xf32>,
        %parallel_loop3A_280 = arith.constant 3 : i32
        %parallel_loop3A_281 = arith.shrsi %parallel_loop3A_276, %parallel_loop3A_280 : i32
        %parallel_loop3A_282 = arith.constant 7 : i32
        %parallel_loop3A_283 = arith.andi %parallel_loop3A_276, %parallel_loop3A_282 : i32
        %parallel_loop3A_284 = arith.constant 0 : i32
        %parallel_loop3A_285 = arith.constant 0 : i32
        %parallel_loop3A_286 = arith.index_cast %parallel_loop3A_284 : i32 to index
        %parallel_loop3A_287 = arith.index_cast %parallel_loop3A_281 : i32 to index
        %parallel_loop3A_288 = arith.index_cast %parallel_loop3A_285 : i32 to index
        %parallel_loop3A_289 = arith.index_cast %parallel_loop3A_283 : i32 to index
        %parallel_loop3A_290 = arith.constant 80 : index
        %parallel_loop3A_291 = tpu.vector_load %arg7[%parallel_loop3A_286, %parallel_loop3A_287, %parallel_loop3A_288, %parallel_loop3A_289, %parallel_loop3A_290] {strides = array<i32>} : memref<2x8x1x8x128xf32, #tpu.memory_space<vmem>>, vector<16xf32>,
        tpu.vector_store %arg7[%parallel_loop3A_286, %parallel_loop3A_287, %parallel_loop3A_288, %parallel_loop3A_289, %parallel_loop3A_290], %parallel_loop3A_279 {strides = array<i32>} : memref<2x8x1x8x128xf32, #tpu.memory_space<vmem>>, vector<16xf32>,
      } {sc.loop_unroll_factor = 8 : i64, sc.parallel_access}
      %get3A_126 = arith.index_cast %add3A_71 : i32 to index
      %get3A_127 = arith.constant 96 : index
      %get3A_128 = tpu.vector_load %arg6[%get3A_126, %get3A_127] {strides = array<i32>} : memref<200x128xi32, #tpu.memory_space<vmem>>, vector<16xi32>,
      %mul3A_129 = arith.constant 65 : i32
      %mul3A_130 = vector.broadcast %mul3A_129 : i32 to vector<16xi32>
      %mul3A_131 = arith.muli %get3A_128, %mul3A_130 : vector<16xi32>
      %parallel_loop3A_132 = arith.constant 0 : i32
      %parallel_loop3A_133 = arith.constant 64 : i32
      %parallel_loop3A_134 = arith.constant 1 : i32
      scf.for %parallel_loop3A_276 = %parallel_loop3A_132 to %parallel_loop3A_133 step %parallel_loop3A_134  : i32 {
        %parallel_loop3A_277 = vector.broadcast %parallel_loop3A_276 : i32 to vector<16xi32>
        %parallel_loop3A_278 = arith.addi %mul3A_131, %parallel_loop3A_277 : vector<16xi32>
        %parallel_loop3A_279 = tpu.vector_load_idx %arg5[%parallel_loop3A_278] : memref<65024xf32, #tpu.memory_space<vmem>>[vector<16xi32>], vector<16xf32>,
        %parallel_loop3A_280 = arith.constant 3 : i32
        %parallel_loop3A_281 = arith.shrsi %parallel_loop3A_276, %parallel_loop3A_280 : i32
        %parallel_loop3A_282 = arith.constant 7 : i32
        %parallel_loop3A_283 = arith.andi %parallel_loop3A_276, %parallel_loop3A_282 : i32
        %parallel_loop3A_284 = arith.constant 0 : i32
        %parallel_loop3A_285 = arith.constant 0 : i32
        %parallel_loop3A_286 = arith.index_cast %parallel_loop3A_284 : i32 to index
        %parallel_loop3A_287 = arith.index_cast %parallel_loop3A_281 : i32 to index
        %parallel_loop3A_288 = arith.index_cast %parallel_loop3A_285 : i32 to index
        %parallel_loop3A_289 = arith.index_cast %parallel_loop3A_283 : i32 to index
        %parallel_loop3A_290 = arith.constant 96 : index
        %parallel_loop3A_291 = tpu.vector_load %arg7[%parallel_loop3A_286, %parallel_loop3A_287, %parallel_loop3A_288, %parallel_loop3A_289, %parallel_loop3A_290] {strides = array<i32>} : memref<2x8x1x8x128xf32, #tpu.memory_space<vmem>>, vector<16xf32>,
        tpu.vector_store %arg7[%parallel_loop3A_286, %parallel_loop3A_287, %parallel_loop3A_288, %parallel_loop3A_289, %parallel_loop3A_290], %parallel_loop3A_279 {strides = array<i32>} : memref<2x8x1x8x128xf32, #tpu.memory_space<vmem>>, vector<16xf32>,
      } {sc.loop_unroll_factor = 8 : i64, sc.parallel_access}
      %get3A_135 = arith.index_cast %add3A_71 : i32 to index
      %get3A_136 = arith.constant 112 : index
      %get3A_137 = tpu.vector_load %arg6[%get3A_135, %get3A_136] {strides = array<i32>} : memref<200x128xi32, #tpu.memory_space<vmem>>, vector<16xi32>,
      %mul3A_138 = arith.constant 65 : i32
      %mul3A_139 = vector.broadcast %mul3A_138 : i32 to vector<16xi32>
      %mul3A_140 = arith.muli %get3A_137, %mul3A_139 : vector<16xi32>
      %parallel_loop3A_141 = arith.constant 0 : i32
      %parallel_loop3A_142 = arith.constant 64 : i32
      %parallel_loop3A_143 = arith.constant 1 : i32
      scf.for %parallel_loop3A_276 = %parallel_loop3A_141 to %parallel_loop3A_142 step %parallel_loop3A_143  : i32 {
        %parallel_loop3A_277 = vector.broadcast %parallel_loop3A_276 : i32 to vector<16xi32>
        %parallel_loop3A_278 = arith.addi %mul3A_140, %parallel_loop3A_277 : vector<16xi32>
        %parallel_loop3A_279 = tpu.vector_load_idx %arg5[%parallel_loop3A_278] : memref<65024xf32, #tpu.memory_space<vmem>>[vector<16xi32>], vector<16xf32>,
        %parallel_loop3A_280 = arith.constant 3 : i32
        %parallel_loop3A_281 = arith.shrsi %parallel_loop3A_276, %parallel_loop3A_280 : i32
        %parallel_loop3A_282 = arith.constant 7 : i32
        %parallel_loop3A_283 = arith.andi %parallel_loop3A_276, %parallel_loop3A_282 : i32
        %parallel_loop3A_284 = arith.constant 0 : i32
        %parallel_loop3A_285 = arith.constant 0 : i32
        %parallel_loop3A_286 = arith.index_cast %parallel_loop3A_284 : i32 to index
        %parallel_loop3A_287 = arith.index_cast %parallel_loop3A_281 : i32 to index
        %parallel_loop3A_288 = arith.index_cast %parallel_loop3A_285 : i32 to index
        %parallel_loop3A_289 = arith.index_cast %parallel_loop3A_283 : i32 to index
        %parallel_loop3A_290 = arith.constant 112 : index
        %parallel_loop3A_291 = tpu.vector_load %arg7[%parallel_loop3A_286, %parallel_loop3A_287, %parallel_loop3A_288, %parallel_loop3A_289, %parallel_loop3A_290] {strides = array<i32>} : memref<2x8x1x8x128xf32, #tpu.memory_space<vmem>>, vector<16xf32>,
        tpu.vector_store %arg7[%parallel_loop3A_286, %parallel_loop3A_287, %parallel_loop3A_288, %parallel_loop3A_289, %parallel_loop3A_290], %parallel_loop3A_279 {strides = array<i32>} : memref<2x8x1x8x128xf32, #tpu.memory_space<vmem>>, vector<16xf32>,
      } {sc.loop_unroll_factor = 8 : i64, sc.parallel_access}
      %dma_start3A = arith.constant 0 : i32
      %dma_start3A_144 = arith.constant 0 : i32
      %dma_start3A_145 = arith.constant 0 : i32
      %dma_start3A_146 = arith.constant 0 : i32
      %dma_start3A_147 = arith.constant 0 : i32
      %dma_start3A_148 = arith.constant 0 : i32
      %dma_start3A_149 = tpu.memref_slice %arg7[%dma_start3A, %dma_start3A_145, %dma_start3A_146, %dma_start3A_147, %dma_start3A_148] : memref<2x8x1x8x128xf32, #tpu.memory_space<vmem>> -> memref<1x8x1x8x128xf32, #tpu.memory_space<vmem>>
      %dma_start3A_150 = tpu.memref_squeeze %dma_start3A_149 : memref<1x8x1x8x128xf32, #tpu.memory_space<vmem>> -> memref<8x1x8x128xf32, #tpu.memory_space<vmem>>
      %dma_start3A_151 = arith.constant 0 : i32
      %dma_start3A_152 = arith.constant 0 : i32
      %dma_start3A_153 = arith.constant 0 : i32
      %dma_start3A_154 = tpu.memref_slice %arg4[%add3A_71, %dma_start3A_151, %add3A, %dma_start3A_152, %dma_start3A_153] : memref<200x8x32x8x128xf32, #tpu.memory_space<hbm>> -> memref<1x8x1x8x128xf32, #tpu.memory_space<hbm>>
      %dma_start3A_155 = tpu.memref_squeeze %dma_start3A_154 : memref<1x8x1x8x128xf32, #tpu.memory_space<hbm>> -> memref<8x1x8x128xf32, #tpu.memory_space<hbm>>
      %dma_start3A_156 = tpu.memref_slice %arg8[%dma_start3A_144] : memref<2x!tpu.dma_semaphore, #tpu.memory_space<semaphore_mem>> -> memref<1x!tpu.dma_semaphore, #tpu.memory_space<semaphore_mem>>
      %dma_start3A_157 = tpu.memref_squeeze %dma_start3A_156 : memref<1x!tpu.dma_semaphore, #tpu.memory_space<semaphore_mem>> -> memref<!tpu.dma_semaphore, #tpu.memory_space<semaphore_mem>>
      %dma_start3A_158 = arith.constant 0 : i32
      %dma_start3A_159 = arith.constant 0 : i32
      %dma_start3A_160 = arith.constant 0 : i32
      %dma_start3A_161 = tpu.memref_slice %arg4[%add3A_71, %dma_start3A_158, %add3A, %dma_start3A_159, %dma_start3A_160] : memref<200x8x32x8x128xf32, #tpu.memory_space<hbm>> -> memref<1x8x1x8x128xf32, #tpu.memory_space<hbm>>
      %dma_start3A_162 = tpu.memref_squeeze %dma_start3A_161 : memref<1x8x1x8x128xf32, #tpu.memory_space<hbm>> -> memref<8x1x8x128xf32, #tpu.memory_space<hbm>>
      %dma_start3A_163 = arith.constant 0 : i32
      %dma_start3A_164 = arith.constant 0 : i32
      %dma_start3A_165 = arith.constant 0 : i32
      %dma_start3A_166 = arith.constant 0 : i32
      %dma_start3A_167 = tpu.memref_slice %arg7[%dma_start3A, %dma_start3A_163, %dma_start3A_164, %dma_start3A_165, %dma_start3A_166] : memref<2x8x1x8x128xf32, #tpu.memory_space<vmem>> -> memref<1x8x1x8x128xf32, #tpu.memory_space<vmem>>
      %dma_start3A_168 = tpu.memref_squeeze %dma_start3A_167 : memref<1x8x1x8x128xf32, #tpu.memory_space<vmem>> -> memref<8x1x8x128xf32, #tpu.memory_space<vmem>>
      tpu.enqueue_dma source(%dma_start3A_168 : memref<8x1x8x128xf32, #tpu.memory_space<vmem>>) target(%dma_start3A_162 : memref<8x1x8x128xf32, #tpu.memory_space<hbm>>) target_semaphore(%dma_start3A_157 : memref<!tpu.dma_semaphore, #tpu.memory_space<semaphore_mem>>)
      %mul3A_169 = arith.constant 2 : i32
      %mul3A_170 = arith.muli %scan3A_67, %mul3A_169 : i32
      %add3A_171 = arith.constant 1 : i32
      %add3A_172 = arith.addi %mul3A_170, %add3A_171 : i32
      %gt3A_173 = arith.constant 0 : i32
      %gt3A_174 = arith.cmpi sgt, %scan3A_67, %gt3A_173 : i32
      %convert_element_type3A_175 = arith.extui %gt3A_174 : i1 to i32
      %cond3A_176 = arith.constant 0 : i32
      %cond3A_177 = arith.cmpi ne, %convert_element_type3A_175, %cond3A_176 : i32
      scf.if %cond3A_177 {
        %sub3A = arith.constant 2 : i32
        %sub3A_276 = arith.subi %add3A_172, %sub3A : i32
        %dma_wait3A_277 = arith.constant 1 : i32
        %dma_wait3A_278 = arith.constant 1 : i32
        %dma_wait3A_279 = arith.constant 0 : i32
        %dma_wait3A_280 = arith.constant 0 : i32
        %dma_wait3A_281 = arith.constant 0 : i32
        %dma_wait3A_282 = arith.constant 0 : i32
        %dma_wait3A_283 = tpu.memref_slice %arg7[%dma_wait3A_277, %dma_wait3A_279, %dma_wait3A_280, %dma_wait3A_281, %dma_wait3A_282] : memref<2x8x1x8x128xf32, #tpu.memory_space<vmem>> -> memref<1x8x1x8x128xf32, #tpu.memory_space<vmem>>
        %dma_wait3A_284 = tpu.memref_squeeze %dma_wait3A_283 : memref<1x8x1x8x128xf32, #tpu.memory_space<vmem>> -> memref<8x1x8x128xf32, #tpu.memory_space<vmem>>
        %dma_wait3A_285 = arith.constant 0 : i32
        %dma_wait3A_286 = arith.constant 0 : i32
        %dma_wait3A_287 = arith.constant 0 : i32
        %dma_wait3A_288 = tpu.memref_slice %arg4[%sub3A_276, %dma_wait3A_285, %add3A, %dma_wait3A_286, %dma_wait3A_287] : memref<200x8x32x8x128xf32, #tpu.memory_space<hbm>> -> memref<1x8x1x8x128xf32, #tpu.memory_space<hbm>>
        %dma_wait3A_289 = tpu.memref_squeeze %dma_wait3A_288 : memref<1x8x1x8x128xf32, #tpu.memory_space<hbm>> -> memref<8x1x8x128xf32, #tpu.memory_space<hbm>>
        %dma_wait3A_290 = tpu.memref_slice %arg8[%dma_wait3A_278] : memref<2x!tpu.dma_semaphore, #tpu.memory_space<semaphore_mem>> -> memref<1x!tpu.dma_semaphore, #tpu.memory_space<semaphore_mem>>
        %dma_wait3A_291 = tpu.memref_squeeze %dma_wait3A_290 : memref<1x!tpu.dma_semaphore, #tpu.memory_space<semaphore_mem>> -> memref<!tpu.dma_semaphore, #tpu.memory_space<semaphore_mem>>
        %dma_wait3A_292 = arith.constant 0 : i32
        %dma_wait3A_293 = arith.constant 0 : i32
        %dma_wait3A_294 = arith.constant 0 : i32
        %dma_wait3A_295 = tpu.memref_slice %arg4[%sub3A_276, %dma_wait3A_292, %add3A, %dma_wait3A_293, %dma_wait3A_294] : memref<200x8x32x8x128xf32, #tpu.memory_space<hbm>> -> memref<1x8x1x8x128xf32, #tpu.memory_space<hbm>>
        %dma_wait3A_296 = tpu.memref_squeeze %dma_wait3A_295 : memref<1x8x1x8x128xf32, #tpu.memory_space<hbm>> -> memref<8x1x8x128xf32, #tpu.memory_space<hbm>>
        %dma_wait3A_297 = arith.constant 0 : i32
        %dma_wait3A_298 = arith.constant 0 : i32
        %dma_wait3A_299 = arith.constant 0 : i32
        %dma_wait3A_300 = arith.constant 0 : i32
        %dma_wait3A_301 = tpu.memref_slice %arg7[%dma_wait3A_277, %dma_wait3A_297, %dma_wait3A_298, %dma_wait3A_299, %dma_wait3A_300] : memref<2x8x1x8x128xf32, #tpu.memory_space<vmem>> -> memref<1x8x1x8x128xf32, #tpu.memory_space<vmem>>
        %dma_wait3A_302 = tpu.memref_squeeze %dma_wait3A_301 : memref<1x8x1x8x128xf32, #tpu.memory_space<vmem>> -> memref<8x1x8x128xf32, #tpu.memory_space<vmem>>
        tpu.wait_dma2 semaphore(%dma_wait3A_291 : memref<!tpu.dma_semaphore, #tpu.memory_space<semaphore_mem>>) src(%dma_wait3A_302 : memref<8x1x8x128xf32, #tpu.memory_space<vmem>>) dst(%dma_wait3A_296 : memref<8x1x8x128xf32, #tpu.memory_space<hbm>>)
      } else {
      }
      %get3A_178 = arith.index_cast %add3A_172 : i32 to index
      %get3A_179 = arith.constant 0 : index
      %get3A_180 = tpu.vector_load %arg6[%get3A_178, %get3A_179] {strides = array<i32>} : memref<200x128xi32, #tpu.memory_space<vmem>>, vector<16xi32>,
      %mul3A_181 = arith.constant 65 : i32
      %mul3A_182 = vector.broadcast %mul3A_181 : i32 to vector<16xi32>
      %mul3A_183 = arith.muli %get3A_180, %mul3A_182 : vector<16xi32>
      %parallel_loop3A_184 = arith.constant 0 : i32
      %parallel_loop3A_185 = arith.constant 64 : i32
      %parallel_loop3A_186 = arith.constant 1 : i32
      scf.for %parallel_loop3A_276 = %parallel_loop3A_184 to %parallel_loop3A_185 step %parallel_loop3A_186  : i32 {
        %parallel_loop3A_277 = vector.broadcast %parallel_loop3A_276 : i32 to vector<16xi32>
        %parallel_loop3A_278 = arith.addi %mul3A_183, %parallel_loop3A_277 : vector<16xi32>
        %parallel_loop3A_279 = tpu.vector_load_idx %arg5[%parallel_loop3A_278] : memref<65024xf32, #tpu.memory_space<vmem>>[vector<16xi32>], vector<16xf32>,
        %parallel_loop3A_280 = arith.constant 3 : i32
        %parallel_loop3A_281 = arith.shrsi %parallel_loop3A_276, %parallel_loop3A_280 : i32
        %parallel_loop3A_282 = arith.constant 7 : i32
        %parallel_loop3A_283 = arith.andi %parallel_loop3A_276, %parallel_loop3A_282 : i32
        %parallel_loop3A_284 = arith.constant 1 : i32
        %parallel_loop3A_285 = arith.constant 0 : i32
        %parallel_loop3A_286 = arith.index_cast %parallel_loop3A_284 : i32 to index
        %parallel_loop3A_287 = arith.index_cast %parallel_loop3A_281 : i32 to index
        %parallel_loop3A_288 = arith.index_cast %parallel_loop3A_285 : i32 to index
        %parallel_loop3A_289 = arith.index_cast %parallel_loop3A_283 : i32 to index
        %parallel_loop3A_290 = arith.constant 0 : index
        %parallel_loop3A_291 = tpu.vector_load %arg7[%parallel_loop3A_286, %parallel_loop3A_287, %parallel_loop3A_288, %parallel_loop3A_289, %parallel_loop3A_290] {strides = array<i32>} : memref<2x8x1x8x128xf32, #tpu.memory_space<vmem>>, vector<16xf32>,
        tpu.vector_store %arg7[%parallel_loop3A_286, %parallel_loop3A_287, %parallel_loop3A_288, %parallel_loop3A_289, %parallel_loop3A_290], %parallel_loop3A_279 {strides = array<i32>} : memref<2x8x1x8x128xf32, #tpu.memory_space<vmem>>, vector<16xf32>,
      } {sc.loop_unroll_factor = 8 : i64, sc.parallel_access}
      %get3A_187 = arith.index_cast %add3A_172 : i32 to index
      %get3A_188 = arith.constant 16 : index
      %get3A_189 = tpu.vector_load %arg6[%get3A_187, %get3A_188] {strides = array<i32>} : memref<200x128xi32, #tpu.memory_space<vmem>>, vector<16xi32>,
      %mul3A_190 = arith.constant 65 : i32
      %mul3A_191 = vector.broadcast %mul3A_190 : i32 to vector<16xi32>
      %mul3A_192 = arith.muli %get3A_189, %mul3A_191 : vector<16xi32>
      %parallel_loop3A_193 = arith.constant 0 : i32
      %parallel_loop3A_194 = arith.constant 64 : i32
      %parallel_loop3A_195 = arith.constant 1 : i32
      scf.for %parallel_loop3A_276 = %parallel_loop3A_193 to %parallel_loop3A_194 step %parallel_loop3A_195  : i32 {
        %parallel_loop3A_277 = vector.broadcast %parallel_loop3A_276 : i32 to vector<16xi32>
        %parallel_loop3A_278 = arith.addi %mul3A_192, %parallel_loop3A_277 : vector<16xi32>
        %parallel_loop3A_279 = tpu.vector_load_idx %arg5[%parallel_loop3A_278] : memref<65024xf32, #tpu.memory_space<vmem>>[vector<16xi32>], vector<16xf32>,
        %parallel_loop3A_280 = arith.constant 3 : i32
        %parallel_loop3A_281 = arith.shrsi %parallel_loop3A_276, %parallel_loop3A_280 : i32
        %parallel_loop3A_282 = arith.constant 7 : i32
        %parallel_loop3A_283 = arith.andi %parallel_loop3A_276, %parallel_loop3A_282 : i32
        %parallel_loop3A_284 = arith.constant 1 : i32
        %parallel_loop3A_285 = arith.constant 0 : i32
        %parallel_loop3A_286 = arith.index_cast %parallel_loop3A_284 : i32 to index
        %parallel_loop3A_287 = arith.index_cast %parallel_loop3A_281 : i32 to index
        %parallel_loop3A_288 = arith.index_cast %parallel_loop3A_285 : i32 to index
        %parallel_loop3A_289 = arith.index_cast %parallel_loop3A_283 : i32 to index
        %parallel_loop3A_290 = arith.constant 16 : index
        %parallel_loop3A_291 = tpu.vector_load %arg7[%parallel_loop3A_286, %parallel_loop3A_287, %parallel_loop3A_288, %parallel_loop3A_289, %parallel_loop3A_290] {strides = array<i32>} : memref<2x8x1x8x128xf32, #tpu.memory_space<vmem>>, vector<16xf32>,
        tpu.vector_store %arg7[%parallel_loop3A_286, %parallel_loop3A_287, %parallel_loop3A_288, %parallel_loop3A_289, %parallel_loop3A_290], %parallel_loop3A_279 {strides = array<i32>} : memref<2x8x1x8x128xf32, #tpu.memory_space<vmem>>, vector<16xf32>,
      } {sc.loop_unroll_factor = 8 : i64, sc.parallel_access}
      %get3A_196 = arith.index_cast %add3A_172 : i32 to index
      %get3A_197 = arith.constant 32 : index
      %get3A_198 = tpu.vector_load %arg6[%get3A_196, %get3A_197] {strides = array<i32>} : memref<200x128xi32, #tpu.memory_space<vmem>>, vector<16xi32>,
      %mul3A_199 = arith.constant 65 : i32
      %mul3A_200 = vector.broadcast %mul3A_199 : i32 to vector<16xi32>
      %mul3A_201 = arith.muli %get3A_198, %mul3A_200 : vector<16xi32>
      %parallel_loop3A_202 = arith.constant 0 : i32
      %parallel_loop3A_203 = arith.constant 64 : i32
      %parallel_loop3A_204 = arith.constant 1 : i32
      scf.for %parallel_loop3A_276 = %parallel_loop3A_202 to %parallel_loop3A_203 step %parallel_loop3A_204  : i32 {
        %parallel_loop3A_277 = vector.broadcast %parallel_loop3A_276 : i32 to vector<16xi32>
        %parallel_loop3A_278 = arith.addi %mul3A_201, %parallel_loop3A_277 : vector<16xi32>
        %parallel_loop3A_279 = tpu.vector_load_idx %arg5[%parallel_loop3A_278] : memref<65024xf32, #tpu.memory_space<vmem>>[vector<16xi32>], vector<16xf32>,
        %parallel_loop3A_280 = arith.constant 3 : i32
        %parallel_loop3A_281 = arith.shrsi %parallel_loop3A_276, %parallel_loop3A_280 : i32
        %parallel_loop3A_282 = arith.constant 7 : i32
        %parallel_loop3A_283 = arith.andi %parallel_loop3A_276, %parallel_loop3A_282 : i32
        %parallel_loop3A_284 = arith.constant 1 : i32
        %parallel_loop3A_285 = arith.constant 0 : i32
        %parallel_loop3A_286 = arith.index_cast %parallel_loop3A_284 : i32 to index
        %parallel_loop3A_287 = arith.index_cast %parallel_loop3A_281 : i32 to index
        %parallel_loop3A_288 = arith.index_cast %parallel_loop3A_285 : i32 to index
        %parallel_loop3A_289 = arith.index_cast %parallel_loop3A_283 : i32 to index
        %parallel_loop3A_290 = arith.constant 32 : index
        %parallel_loop3A_291 = tpu.vector_load %arg7[%parallel_loop3A_286, %parallel_loop3A_287, %parallel_loop3A_288, %parallel_loop3A_289, %parallel_loop3A_290] {strides = array<i32>} : memref<2x8x1x8x128xf32, #tpu.memory_space<vmem>>, vector<16xf32>,
        tpu.vector_store %arg7[%parallel_loop3A_286, %parallel_loop3A_287, %parallel_loop3A_288, %parallel_loop3A_289, %parallel_loop3A_290], %parallel_loop3A_279 {strides = array<i32>} : memref<2x8x1x8x128xf32, #tpu.memory_space<vmem>>, vector<16xf32>,
      } {sc.loop_unroll_factor = 8 : i64, sc.parallel_access}
      %get3A_205 = arith.index_cast %add3A_172 : i32 to index
      %get3A_206 = arith.constant 48 : index
      %get3A_207 = tpu.vector_load %arg6[%get3A_205, %get3A_206] {strides = array<i32>} : memref<200x128xi32, #tpu.memory_space<vmem>>, vector<16xi32>,
      %mul3A_208 = arith.constant 65 : i32
      %mul3A_209 = vector.broadcast %mul3A_208 : i32 to vector<16xi32>
      %mul3A_210 = arith.muli %get3A_207, %mul3A_209 : vector<16xi32>
      %parallel_loop3A_211 = arith.constant 0 : i32
      %parallel_loop3A_212 = arith.constant 64 : i32
      %parallel_loop3A_213 = arith.constant 1 : i32
      scf.for %parallel_loop3A_276 = %parallel_loop3A_211 to %parallel_loop3A_212 step %parallel_loop3A_213  : i32 {
        %parallel_loop3A_277 = vector.broadcast %parallel_loop3A_276 : i32 to vector<16xi32>
        %parallel_loop3A_278 = arith.addi %mul3A_210, %parallel_loop3A_277 : vector<16xi32>
        %parallel_loop3A_279 = tpu.vector_load_idx %arg5[%parallel_loop3A_278] : memref<65024xf32, #tpu.memory_space<vmem>>[vector<16xi32>], vector<16xf32>,
        %parallel_loop3A_280 = arith.constant 3 : i32
        %parallel_loop3A_281 = arith.shrsi %parallel_loop3A_276, %parallel_loop3A_280 : i32
        %parallel_loop3A_282 = arith.constant 7 : i32
        %parallel_loop3A_283 = arith.andi %parallel_loop3A_276, %parallel_loop3A_282 : i32
        %parallel_loop3A_284 = arith.constant 1 : i32
        %parallel_loop3A_285 = arith.constant 0 : i32
        %parallel_loop3A_286 = arith.index_cast %parallel_loop3A_284 : i32 to index
        %parallel_loop3A_287 = arith.index_cast %parallel_loop3A_281 : i32 to index
        %parallel_loop3A_288 = arith.index_cast %parallel_loop3A_285 : i32 to index
        %parallel_loop3A_289 = arith.index_cast %parallel_loop3A_283 : i32 to index
        %parallel_loop3A_290 = arith.constant 48 : index
        %parallel_loop3A_291 = tpu.vector_load %arg7[%parallel_loop3A_286, %parallel_loop3A_287, %parallel_loop3A_288, %parallel_loop3A_289, %parallel_loop3A_290] {strides = array<i32>} : memref<2x8x1x8x128xf32, #tpu.memory_space<vmem>>, vector<16xf32>,
        tpu.vector_store %arg7[%parallel_loop3A_286, %parallel_loop3A_287, %parallel_loop3A_288, %parallel_loop3A_289, %parallel_loop3A_290], %parallel_loop3A_279 {strides = array<i32>} : memref<2x8x1x8x128xf32, #tpu.memory_space<vmem>>, vector<16xf32>,
      } {sc.loop_unroll_factor = 8 : i64, sc.parallel_access}
      %get3A_214 = arith.index_cast %add3A_172 : i32 to index
      %get3A_215 = arith.constant 64 : index
      %get3A_216 = tpu.vector_load %arg6[%get3A_214, %get3A_215] {strides = array<i32>} : memref<200x128xi32, #tpu.memory_space<vmem>>, vector<16xi32>,
      %mul3A_217 = arith.constant 65 : i32
      %mul3A_218 = vector.broadcast %mul3A_217 : i32 to vector<16xi32>
      %mul3A_219 = arith.muli %get3A_216, %mul3A_218 : vector<16xi32>
      %parallel_loop3A_220 = arith.constant 0 : i32
      %parallel_loop3A_221 = arith.constant 64 : i32
      %parallel_loop3A_222 = arith.constant 1 : i32
      scf.for %parallel_loop3A_276 = %parallel_loop3A_220 to %parallel_loop3A_221 step %parallel_loop3A_222  : i32 {
        %parallel_loop3A_277 = vector.broadcast %parallel_loop3A_276 : i32 to vector<16xi32>
        %parallel_loop3A_278 = arith.addi %mul3A_219, %parallel_loop3A_277 : vector<16xi32>
        %parallel_loop3A_279 = tpu.vector_load_idx %arg5[%parallel_loop3A_278] : memref<65024xf32, #tpu.memory_space<vmem>>[vector<16xi32>], vector<16xf32>,
        %parallel_loop3A_280 = arith.constant 3 : i32
        %parallel_loop3A_281 = arith.shrsi %parallel_loop3A_276, %parallel_loop3A_280 : i32
        %parallel_loop3A_282 = arith.constant 7 : i32
        %parallel_loop3A_283 = arith.andi %parallel_loop3A_276, %parallel_loop3A_282 : i32
        %parallel_loop3A_284 = arith.constant 1 : i32
        %parallel_loop3A_285 = arith.constant 0 : i32
        %parallel_loop3A_286 = arith.index_cast %parallel_loop3A_284 : i32 to index
        %parallel_loop3A_287 = arith.index_cast %parallel_loop3A_281 : i32 to index
        %parallel_loop3A_288 = arith.index_cast %parallel_loop3A_285 : i32 to index
        %parallel_loop3A_289 = arith.index_cast %parallel_loop3A_283 : i32 to index
        %parallel_loop3A_290 = arith.constant 64 : index
        %parallel_loop3A_291 = tpu.vector_load %arg7[%parallel_loop3A_286, %parallel_loop3A_287, %parallel_loop3A_288, %parallel_loop3A_289, %parallel_loop3A_290] {strides = array<i32>} : memref<2x8x1x8x128xf32, #tpu.memory_space<vmem>>, vector<16xf32>,
        tpu.vector_store %arg7[%parallel_loop3A_286, %parallel_loop3A_287, %parallel_loop3A_288, %parallel_loop3A_289, %parallel_loop3A_290], %parallel_loop3A_279 {strides = array<i32>} : memref<2x8x1x8x128xf32, #tpu.memory_space<vmem>>, vector<16xf32>,
      } {sc.loop_unroll_factor = 8 : i64, sc.parallel_access}
      %get3A_223 = arith.index_cast %add3A_172 : i32 to index
      %get3A_224 = arith.constant 80 : index
      %get3A_225 = tpu.vector_load %arg6[%get3A_223, %get3A_224] {strides = array<i32>} : memref<200x128xi32, #tpu.memory_space<vmem>>, vector<16xi32>,
      %mul3A_226 = arith.constant 65 : i32
      %mul3A_227 = vector.broadcast %mul3A_226 : i32 to vector<16xi32>
      %mul3A_228 = arith.muli %get3A_225, %mul3A_227 : vector<16xi32>
      %parallel_loop3A_229 = arith.constant 0 : i32
      %parallel_loop3A_230 = arith.constant 64 : i32
      %parallel_loop3A_231 = arith.constant 1 : i32
      scf.for %parallel_loop3A_276 = %parallel_loop3A_229 to %parallel_loop3A_230 step %parallel_loop3A_231  : i32 {
        %parallel_loop3A_277 = vector.broadcast %parallel_loop3A_276 : i32 to vector<16xi32>
        %parallel_loop3A_278 = arith.addi %mul3A_228, %parallel_loop3A_277 : vector<16xi32>
        %parallel_loop3A_279 = tpu.vector_load_idx %arg5[%parallel_loop3A_278] : memref<65024xf32, #tpu.memory_space<vmem>>[vector<16xi32>], vector<16xf32>,
        %parallel_loop3A_280 = arith.constant 3 : i32
        %parallel_loop3A_281 = arith.shrsi %parallel_loop3A_276, %parallel_loop3A_280 : i32
        %parallel_loop3A_282 = arith.constant 7 : i32
        %parallel_loop3A_283 = arith.andi %parallel_loop3A_276, %parallel_loop3A_282 : i32
        %parallel_loop3A_284 = arith.constant 1 : i32
        %parallel_loop3A_285 = arith.constant 0 : i32
        %parallel_loop3A_286 = arith.index_cast %parallel_loop3A_284 : i32 to index
        %parallel_loop3A_287 = arith.index_cast %parallel_loop3A_281 : i32 to index
        %parallel_loop3A_288 = arith.index_cast %parallel_loop3A_285 : i32 to index
        %parallel_loop3A_289 = arith.index_cast %parallel_loop3A_283 : i32 to index
        %parallel_loop3A_290 = arith.constant 80 : index
        %parallel_loop3A_291 = tpu.vector_load %arg7[%parallel_loop3A_286, %parallel_loop3A_287, %parallel_loop3A_288, %parallel_loop3A_289, %parallel_loop3A_290] {strides = array<i32>} : memref<2x8x1x8x128xf32, #tpu.memory_space<vmem>>, vector<16xf32>,
        tpu.vector_store %arg7[%parallel_loop3A_286, %parallel_loop3A_287, %parallel_loop3A_288, %parallel_loop3A_289, %parallel_loop3A_290], %parallel_loop3A_279 {strides = array<i32>} : memref<2x8x1x8x128xf32, #tpu.memory_space<vmem>>, vector<16xf32>,
      } {sc.loop_unroll_factor = 8 : i64, sc.parallel_access}
      %get3A_232 = arith.index_cast %add3A_172 : i32 to index
      %get3A_233 = arith.constant 96 : index
      %get3A_234 = tpu.vector_load %arg6[%get3A_232, %get3A_233] {strides = array<i32>} : memref<200x128xi32, #tpu.memory_space<vmem>>, vector<16xi32>,
      %mul3A_235 = arith.constant 65 : i32
      %mul3A_236 = vector.broadcast %mul3A_235 : i32 to vector<16xi32>
      %mul3A_237 = arith.muli %get3A_234, %mul3A_236 : vector<16xi32>
      %parallel_loop3A_238 = arith.constant 0 : i32
      %parallel_loop3A_239 = arith.constant 64 : i32
      %parallel_loop3A_240 = arith.constant 1 : i32
      scf.for %parallel_loop3A_276 = %parallel_loop3A_238 to %parallel_loop3A_239 step %parallel_loop3A_240  : i32 {
        %parallel_loop3A_277 = vector.broadcast %parallel_loop3A_276 : i32 to vector<16xi32>
        %parallel_loop3A_278 = arith.addi %mul3A_237, %parallel_loop3A_277 : vector<16xi32>
        %parallel_loop3A_279 = tpu.vector_load_idx %arg5[%parallel_loop3A_278] : memref<65024xf32, #tpu.memory_space<vmem>>[vector<16xi32>], vector<16xf32>,
        %parallel_loop3A_280 = arith.constant 3 : i32
        %parallel_loop3A_281 = arith.shrsi %parallel_loop3A_276, %parallel_loop3A_280 : i32
        %parallel_loop3A_282 = arith.constant 7 : i32
        %parallel_loop3A_283 = arith.andi %parallel_loop3A_276, %parallel_loop3A_282 : i32
        %parallel_loop3A_284 = arith.constant 1 : i32
        %parallel_loop3A_285 = arith.constant 0 : i32
        %parallel_loop3A_286 = arith.index_cast %parallel_loop3A_284 : i32 to index
        %parallel_loop3A_287 = arith.index_cast %parallel_loop3A_281 : i32 to index
        %parallel_loop3A_288 = arith.index_cast %parallel_loop3A_285 : i32 to index
        %parallel_loop3A_289 = arith.index_cast %parallel_loop3A_283 : i32 to index
        %parallel_loop3A_290 = arith.constant 96 : index
        %parallel_loop3A_291 = tpu.vector_load %arg7[%parallel_loop3A_286, %parallel_loop3A_287, %parallel_loop3A_288, %parallel_loop3A_289, %parallel_loop3A_290] {strides = array<i32>} : memref<2x8x1x8x128xf32, #tpu.memory_space<vmem>>, vector<16xf32>,
        tpu.vector_store %arg7[%parallel_loop3A_286, %parallel_loop3A_287, %parallel_loop3A_288, %parallel_loop3A_289, %parallel_loop3A_290], %parallel_loop3A_279 {strides = array<i32>} : memref<2x8x1x8x128xf32, #tpu.memory_space<vmem>>, vector<16xf32>,
      } {sc.loop_unroll_factor = 8 : i64, sc.parallel_access}
      %get3A_241 = arith.index_cast %add3A_172 : i32 to index
      %get3A_242 = arith.constant 112 : index
      %get3A_243 = tpu.vector_load %arg6[%get3A_241, %get3A_242] {strides = array<i32>} : memref<200x128xi32, #tpu.memory_space<vmem>>, vector<16xi32>,
      %mul3A_244 = arith.constant 65 : i32
      %mul3A_245 = vector.broadcast %mul3A_244 : i32 to vector<16xi32>
      %mul3A_246 = arith.muli %get3A_243, %mul3A_245 : vector<16xi32>
      %parallel_loop3A_247 = arith.constant 0 : i32
      %parallel_loop3A_248 = arith.constant 64 : i32
      %parallel_loop3A_249 = arith.constant 1 : i32
      scf.for %parallel_loop3A_276 = %parallel_loop3A_247 to %parallel_loop3A_248 step %parallel_loop3A_249  : i32 {
        %parallel_loop3A_277 = vector.broadcast %parallel_loop3A_276 : i32 to vector<16xi32>
        %parallel_loop3A_278 = arith.addi %mul3A_246, %parallel_loop3A_277 : vector<16xi32>
        %parallel_loop3A_279 = tpu.vector_load_idx %arg5[%parallel_loop3A_278] : memref<65024xf32, #tpu.memory_space<vmem>>[vector<16xi32>], vector<16xf32>,
        %parallel_loop3A_280 = arith.constant 3 : i32
        %parallel_loop3A_281 = arith.shrsi %parallel_loop3A_276, %parallel_loop3A_280 : i32
        %parallel_loop3A_282 = arith.constant 7 : i32
        %parallel_loop3A_283 = arith.andi %parallel_loop3A_276, %parallel_loop3A_282 : i32
        %parallel_loop3A_284 = arith.constant 1 : i32
        %parallel_loop3A_285 = arith.constant 0 : i32
        %parallel_loop3A_286 = arith.index_cast %parallel_loop3A_284 : i32 to index
        %parallel_loop3A_287 = arith.index_cast %parallel_loop3A_281 : i32 to index
        %parallel_loop3A_288 = arith.index_cast %parallel_loop3A_285 : i32 to index
        %parallel_loop3A_289 = arith.index_cast %parallel_loop3A_283 : i32 to index
        %parallel_loop3A_290 = arith.constant 112 : index
        %parallel_loop3A_291 = tpu.vector_load %arg7[%parallel_loop3A_286, %parallel_loop3A_287, %parallel_loop3A_288, %parallel_loop3A_289, %parallel_loop3A_290] {strides = array<i32>} : memref<2x8x1x8x128xf32, #tpu.memory_space<vmem>>, vector<16xf32>,
        tpu.vector_store %arg7[%parallel_loop3A_286, %parallel_loop3A_287, %parallel_loop3A_288, %parallel_loop3A_289, %parallel_loop3A_290], %parallel_loop3A_279 {strides = array<i32>} : memref<2x8x1x8x128xf32, #tpu.memory_space<vmem>>, vector<16xf32>,
      } {sc.loop_unroll_factor = 8 : i64, sc.parallel_access}
      %dma_start3A_250 = arith.constant 1 : i32
      %dma_start3A_251 = arith.constant 1 : i32
      %dma_start3A_252 = arith.constant 0 : i32
      %dma_start3A_253 = arith.constant 0 : i32
      %dma_start3A_254 = arith.constant 0 : i32
      %dma_start3A_255 = arith.constant 0 : i32
      %dma_start3A_256 = tpu.memref_slice %arg7[%dma_start3A_250, %dma_start3A_252, %dma_start3A_253, %dma_start3A_254, %dma_start3A_255] : memref<2x8x1x8x128xf32, #tpu.memory_space<vmem>> -> memref<1x8x1x8x128xf32, #tpu.memory_space<vmem>>
      %dma_start3A_257 = tpu.memref_squeeze %dma_start3A_256 : memref<1x8x1x8x128xf32, #tpu.memory_space<vmem>> -> memref<8x1x8x128xf32, #tpu.memory_space<vmem>>
      %dma_start3A_258 = arith.constant 0 : i32
      %dma_start3A_259 = arith.constant 0 : i32
      %dma_start3A_260 = arith.constant 0 : i32
      %dma_start3A_261 = tpu.memref_slice %arg4[%add3A_172, %dma_start3A_258, %add3A, %dma_start3A_259, %dma_start3A_260] : memref<200x8x32x8x128xf32, #tpu.memory_space<hbm>> -> memref<1x8x1x8x128xf32, #tpu.memory_space<hbm>>
      %dma_start3A_262 = tpu.memref_squeeze %dma_start3A_261 : memref<1x8x1x8x128xf32, #tpu.memory_space<hbm>> -> memref<8x1x8x128xf32, #tpu.memory_space<hbm>>
      %dma_start3A_263 = tpu.memref_slice %arg8[%dma_start3A_251] : memref<2x!tpu.dma_semaphore, #tpu.memory_space<semaphore_mem>> -> memref<1x!tpu.dma_semaphore, #tpu.memory_space<semaphore_mem>>
      %dma_start3A_264 = tpu.memref_squeeze %dma_start3A_263 : memref<1x!tpu.dma_semaphore, #tpu.memory_space<semaphore_mem>> -> memref<!tpu.dma_semaphore, #tpu.memory_space<semaphore_mem>>
      %dma_start3A_265 = arith.constant 0 : i32
      %dma_start3A_266 = arith.constant 0 : i32
      %dma_start3A_267 = arith.constant 0 : i32
      %dma_start3A_268 = tpu.memref_slice %arg4[%add3A_172, %dma_start3A_265, %add3A, %dma_start3A_266, %dma_start3A_267] : memref<200x8x32x8x128xf32, #tpu.memory_space<hbm>> -> memref<1x8x1x8x128xf32, #tpu.memory_space<hbm>>
      %dma_start3A_269 = tpu.memref_squeeze %dma_start3A_268 : memref<1x8x1x8x128xf32, #tpu.memory_space<hbm>> -> memref<8x1x8x128xf32, #tpu.memory_space<hbm>>
      %dma_start3A_270 = arith.constant 0 : i32
      %dma_start3A_271 = arith.constant 0 : i32
      %dma_start3A_272 = arith.constant 0 : i32
      %dma_start3A_273 = arith.constant 0 : i32
      %dma_start3A_274 = tpu.memref_slice %arg7[%dma_start3A_250, %dma_start3A_270, %dma_start3A_271, %dma_start3A_272, %dma_start3A_273] : memref<2x8x1x8x128xf32, #tpu.memory_space<vmem>> -> memref<1x8x1x8x128xf32, #tpu.memory_space<vmem>>
      %dma_start3A_275 = tpu.memref_squeeze %dma_start3A_274 : memref<1x8x1x8x128xf32, #tpu.memory_space<vmem>> -> memref<8x1x8x128xf32, #tpu.memory_space<vmem>>
      tpu.enqueue_dma source(%dma_start3A_275 : memref<8x1x8x128xf32, #tpu.memory_space<vmem>>) target(%dma_start3A_269 : memref<8x1x8x128xf32, #tpu.memory_space<hbm>>) target_semaphore(%dma_start3A_264 : memref<!tpu.dma_semaphore, #tpu.memory_space<semaphore_mem>>)
    }
    %scan3A_13 = arith.constant 100 : i32
    %dma_wait3A = arith.constant 0 : i32
    %dma_wait3A_14 = arith.constant 198 : i32
    %dma_wait3A_15 = arith.constant 0 : i32
    %dma_wait3A_16 = arith.constant 0 : i32
    %dma_wait3A_17 = arith.constant 0 : i32
    %dma_wait3A_18 = arith.constant 0 : i32
    %dma_wait3A_19 = arith.constant 0 : i32
    %dma_wait3A_20 = tpu.memref_slice %arg7[%dma_wait3A, %dma_wait3A_16, %dma_wait3A_17, %dma_wait3A_18, %dma_wait3A_19] : memref<2x8x1x8x128xf32, #tpu.memory_space<vmem>> -> memref<1x8x1x8x128xf32, #tpu.memory_space<vmem>>
    %dma_wait3A_21 = tpu.memref_squeeze %dma_wait3A_20 : memref<1x8x1x8x128xf32, #tpu.memory_space<vmem>> -> memref<8x1x8x128xf32, #tpu.memory_space<vmem>>
    %dma_wait3A_22 = arith.constant 0 : i32
    %dma_wait3A_23 = arith.constant 0 : i32
    %dma_wait3A_24 = arith.constant 0 : i32
    %dma_wait3A_25 = tpu.memref_slice %arg4[%dma_wait3A_14, %dma_wait3A_22, %add3A, %dma_wait3A_23, %dma_wait3A_24] : memref<200x8x32x8x128xf32, #tpu.memory_space<hbm>> -> memref<1x8x1x8x128xf32, #tpu.memory_space<hbm>>
    %dma_wait3A_26 = tpu.memref_squeeze %dma_wait3A_25 : memref<1x8x1x8x128xf32, #tpu.memory_space<hbm>> -> memref<8x1x8x128xf32, #tpu.memory_space<hbm>>
    %dma_wait3A_27 = tpu.memref_slice %arg8[%dma_wait3A_15] : memref<2x!tpu.dma_semaphore, #tpu.memory_space<semaphore_mem>> -> memref<1x!tpu.dma_semaphore, #tpu.memory_space<semaphore_mem>>
    %dma_wait3A_28 = tpu.memref_squeeze %dma_wait3A_27 : memref<1x!tpu.dma_semaphore, #tpu.memory_space<semaphore_mem>> -> memref<!tpu.dma_semaphore, #tpu.memory_space<semaphore_mem>>
    %dma_wait3A_29 = arith.constant 0 : i32
    %dma_wait3A_30 = arith.constant 0 : i32
    %dma_wait3A_31 = arith.constant 0 : i32
    %dma_wait3A_32 = tpu.memref_slice %arg4[%dma_wait3A_14, %dma_wait3A_29, %add3A, %dma_wait3A_30, %dma_wait3A_31] : memref<200x8x32x8x128xf32, #tpu.memory_space<hbm>> -> memref<1x8x1x8x128xf32, #tpu.memory_space<hbm>>
    %dma_wait3A_33 = tpu.memref_squeeze %dma_wait3A_32 : memref<1x8x1x8x128xf32, #tpu.memory_space<hbm>> -> memref<8x1x8x128xf32, #tpu.memory_space<hbm>>
    %dma_wait3A_34 = arith.constant 0 : i32
    %dma_wait3A_35 = arith.constant 0 : i32
    %dma_wait3A_36 = arith.constant 0 : i32
    %dma_wait3A_37 = arith.constant 0 : i32
    %dma_wait3A_38 = tpu.memref_slice %arg7[%dma_wait3A, %dma_wait3A_34, %dma_wait3A_35, %dma_wait3A_36, %dma_wait3A_37] : memref<2x8x1x8x128xf32, #tpu.memory_space<vmem>> -> memref<1x8x1x8x128xf32, #tpu.memory_space<vmem>>
    %dma_wait3A_39 = tpu.memref_squeeze %dma_wait3A_38 : memref<1x8x1x8x128xf32, #tpu.memory_space<vmem>> -> memref<8x1x8x128xf32, #tpu.memory_space<vmem>>
    tpu.wait_dma2 semaphore(%dma_wait3A_28 : memref<!tpu.dma_semaphore, #tpu.memory_space<semaphore_mem>>) src(%dma_wait3A_39 : memref<8x1x8x128xf32, #tpu.memory_space<vmem>>) dst(%dma_wait3A_33 : memref<8x1x8x128xf32, #tpu.memory_space<hbm>>)
    %dma_wait3A_40 = arith.constant 1 : i32
    %dma_wait3A_41 = arith.constant 199 : i32
    %dma_wait3A_42 = arith.constant 1 : i32
    %dma_wait3A_43 = arith.constant 0 : i32
    %dma_wait3A_44 = arith.constant 0 : i32
    %dma_wait3A_45 = arith.constant 0 : i32
    %dma_wait3A_46 = arith.constant 0 : i32
    %dma_wait3A_47 = tpu.memref_slice %arg7[%dma_wait3A_40, %dma_wait3A_43, %dma_wait3A_44, %dma_wait3A_45, %dma_wait3A_46] : memref<2x8x1x8x128xf32, #tpu.memory_space<vmem>> -> memref<1x8x1x8x128xf32, #tpu.memory_space<vmem>>
    %dma_wait3A_48 = tpu.memref_squeeze %dma_wait3A_47 : memref<1x8x1x8x128xf32, #tpu.memory_space<vmem>> -> memref<8x1x8x128xf32, #tpu.memory_space<vmem>>
    %dma_wait3A_49 = arith.constant 0 : i32
    %dma_wait3A_50 = arith.constant 0 : i32
    %dma_wait3A_51 = arith.constant 0 : i32
    %dma_wait3A_52 = tpu.memref_slice %arg4[%dma_wait3A_41, %dma_wait3A_49, %add3A, %dma_wait3A_50, %dma_wait3A_51] : memref<200x8x32x8x128xf32, #tpu.memory_space<hbm>> -> memref<1x8x1x8x128xf32, #tpu.memory_space<hbm>>
    %dma_wait3A_53 = tpu.memref_squeeze %dma_wait3A_52 : memref<1x8x1x8x128xf32, #tpu.memory_space<hbm>> -> memref<8x1x8x128xf32, #tpu.memory_space<hbm>>
    %dma_wait3A_54 = tpu.memref_slice %arg8[%dma_wait3A_42] : memref<2x!tpu.dma_semaphore, #tpu.memory_space<semaphore_mem>> -> memref<1x!tpu.dma_semaphore, #tpu.memory_space<semaphore_mem>>
    %dma_wait3A_55 = tpu.memref_squeeze %dma_wait3A_54 : memref<1x!tpu.dma_semaphore, #tpu.memory_space<semaphore_mem>> -> memref<!tpu.dma_semaphore, #tpu.memory_space<semaphore_mem>>
    %dma_wait3A_56 = arith.constant 0 : i32
    %dma_wait3A_57 = arith.constant 0 : i32
    %dma_wait3A_58 = arith.constant 0 : i32
    %dma_wait3A_59 = tpu.memref_slice %arg4[%dma_wait3A_41, %dma_wait3A_56, %add3A, %dma_wait3A_57, %dma_wait3A_58] : memref<200x8x32x8x128xf32, #tpu.memory_space<hbm>> -> memref<1x8x1x8x128xf32, #tpu.memory_space<hbm>>
    %dma_wait3A_60 = tpu.memref_squeeze %dma_wait3A_59 : memref<1x8x1x8x128xf32, #tpu.memory_space<hbm>> -> memref<8x1x8x128xf32, #tpu.memory_space<hbm>>
    %dma_wait3A_61 = arith.constant 0 : i32
    %dma_wait3A_62 = arith.constant 0 : i32
    %dma_wait3A_63 = arith.constant 0 : i32
    %dma_wait3A_64 = arith.constant 0 : i32
    %dma_wait3A_65 = tpu.memref_slice %arg7[%dma_wait3A_40, %dma_wait3A_61, %dma_wait3A_62, %dma_wait3A_63, %dma_wait3A_64] : memref<2x8x1x8x128xf32, #tpu.memory_space<vmem>> -> memref<1x8x1x8x128xf32, #tpu.memory_space<vmem>>
    %dma_wait3A_66 = tpu.memref_squeeze %dma_wait3A_65 : memref<1x8x1x8x128xf32, #tpu.memory_space<vmem>> -> memref<8x1x8x128xf32, #tpu.memory_space<vmem>>
    tpu.wait_dma2 semaphore(%dma_wait3A_55 : memref<!tpu.dma_semaphore, #tpu.memory_space<semaphore_mem>>) src(%dma_wait3A_66 : memref<8x1x8x128xf32, #tpu.memory_space<vmem>>) dst(%dma_wait3A_60 : memref<8x1x8x128xf32, #tpu.memory_space<hbm>>)
    return
  }
}

</mosaic_0001>

<sc_bundles>
// kernel: kernel.3.cloned.1.call-start
scs
__scs_entry_jumppad:
0x0: {  	(pc) =	sbr.rel $0x88, $3  }
0x1: {  	(tag) =	ssettag $0x0;
	lr =	simm.s32 $0x1  }
0x2: {  	[smem:$0x3F9F] =	sst lr;
	_ =	strace $0xD0000000  }
0x3: {  	_ = 	snop  }
0x4: {  	_ = 	snop  }
0x5: {  	_ = 	snop  }
0x6: {  	_ = 	snop  }
0x7: {  	_ = 	snop  }
__scs_overlays_trampoline_lowered:
0x8: {  	[smem:$0x3FAE] =	sst s0  }
0x9: {  	[smem:$0x3FAF] =	sst s1  }
0xa: {  	[smem:$0x3FB0] =	sst s2  }
0xb: {  	[smem:$0x3FB1] =	sst s3  }
0xc: {  	[smem:$0x3FB2] =	sst s4  }
0xd: {  	[smem:$0x3FB3] =	sst s5  }
0xe: {  	[smem:$0x3FB4] =	sst s6  }
0xf: {  	[smem:$0x3FB5] =	sst s7  }
0x10: {  	[smem:$0x3FB6] =	sst s8  }
0x11: {  	[smem:$0x3FB7] =	sst s9;
	s0 =	simm.s32 @!p0 $0x0  }
0x12: {  	s1 =	sld [smem:$0x3F9D];
	s0 =	simm.s32 @p0 $0x1  }
0x13: {  	[smem:$0x3FB8] =	sst s0;
	s0 =	simm.s32 @!p1 $0x0  }
0x14: {  	s2 =	sld [smem:$0x3F9C];
	s0 =	simm.s32 @p1 $0x1  }
0x15: {  	[smem:$0x3FB9] =	sst s0;
	s0 =	simm.s32 @!p2 $0x0  }
0x16: {  	s3 =	sld [smem:$0x3FDB];
	s0 =	simm.s32 @p2 $0x1  }
0x17: {  	s4 =	simm.s32 $0x1BF5;
	[smem:$0x3FBB] =	sst s0  }
0x18: {  	s0 =	sld [smem:$0x3F9E];
	_ =	swait.ge [sflag:s4], $0x0  }
0x19: {  	s7 =	sld [smem:$0x3F9F]  }
0x1a: {  	s8 =	sadd.s32 $0xFFFFE003, lr  }
0x1b: {  	s9 =	sadd.s32 $0xFFFFFEF7, lr;
	s5 =	simm.s32 $0xFFFFFFFF;
	p2 =	slt.u32 s8, $0xFFFFF086  }
0x1c: {  	p1 =	slt.u32 s9, $0xF7A;
	s5 =	simm.s32 @!p2 $0x0  }
0x1d: {  	s5 =	simm.s32 @p1 $0x1;
	p0 =	seq.s32 s7, s2  }
0x1e: {  	s7 =	smul.u32 @!p0 $0xF7A, s2;
	p2 =	seq.s32 @!p0 s5, $0x0  }
0x1f: {  	s9 =	smul.u32 $0xF7A, s1;
	s8 =	simm.s32 @!p0 $0x1BF5;
	p2 =	por !p2, p0  }
0x20: {  	[sflag:s8] =	ssyncset.s32 @!p0 $0xFFFFF086;
	s6 =	sadd.s32 @!p0 s3, s7;
	s7 =	simm.s32 @!p0 $0x108  }
0x21: {  	s3 =	sadd.s32 s3, s9;
	s6 =	sadd.s32 @!p0 $0x88, s6;
	s7 =	simm.s32 @p2 $0x1082  }
0x22: {  	[simem:s7], [sflag:s8] =	dma.local @!p0 [hbm:s6], $0xF7A  }
0x23: {  	s9 =	sor.u32 $0xD0000000, s2;
	s6 =	simm.s32 $0x108;
	_ =	swait.ge @!p0 [sflag:s8], $0x0  }
0x24: {  	s3 =	sadd.s32 $0x88, s3;
	s6 =	simm.s32 @!p1 $0x1082;
	[sflag:s4] =	ssyncset.s32 $0xFFFFF086  }
0x25: {  	[simem:s6], [sflag:s4] =	dma.local [hbm:s3], $0xF7A  }
0x26: {  	[smem:$0x3F9F] =	sst s1;
	(tag) =	ssettag s2;
	_ =	strace s9  }
0x27: {  	s1 =	sld [smem:$0x3FAF]  }
0x28: {  	s2 =	sld [smem:$0x3FB0]  }
0x29: {  	s4 =	sld [smem:$0x3FB2]  }
0x2a: {  	p0 =	seq.s32 s5, $0x0;
	s5 =	sld [smem:$0x3FB3]  }
0x2b: {  	s6 =	sld [smem:$0x3FB4]  }
0x2c: {  	s7 =	sld [smem:$0x3FB5]  }
0x2d: {  	s3 =	simm.s32 $0x108;
	s8 =	sld [smem:$0x3FB6]  }
0x2e: {  	s3 =	simm.s32 @!p0 $0x1082;
	s9 =	sld [smem:$0x3FB7]  }
0x2f: {  	lr =	sadd.s32 s0, s3;
	s0 =	sld [smem:$0x3FAE]  }
0x30: {  	s3 =	sld [smem:$0x3FB1]  }
0x31: {  	[smem:$0x3FBA] =	sst s10  }
0x32: {  	s10 =	sld [smem:$0x3FB8];
	_ =	sdelay $0x3  }
0x33: {  	p0 =	seq.s32 s10, $0x1;
	s10 =	sld [smem:$0x3FBA];
	_ =	sdelay $0x3  }
0x34: {  	[smem:$0x3FBA] =	sst s10  }
0x35: {  	s10 =	sld [smem:$0x3FB9];
	_ =	sdelay $0x3  }
0x36: {  	p1 =	seq.s32 s10, $0x1;
	s10 =	sld [smem:$0x3FBA];
	_ =	sdelay $0x3  }
0x37: {  	[smem:$0x3FBA] =	sst s10  }
0x38: {  	s10 =	sld [smem:$0x3FBB]  }
0x39: {  	_ = 	snop;
	(pc) =	sbr.ind lr, $3  }
0x3a: {  	_ = 	snop  }
0x3b: {  	_ = 	snop  }
0x3c: {  	p2 =	seq.s32 s10, $0x1;
	s10 =	sld [smem:$0x3FBA]  }
0x3d: {  	_ =	shalt  }
0x3e: {  	_ =	shalt  }
0x3f: {  	_ =	shalt  }
0x40: {  	_ =	shalt  }
0x41: {  	_ =	shalt  }
0x42: {  	_ =	shalt  }
0x43: {  	_ =	shalt  }
0x44: {  	_ =	shalt  }
0x45: {  	_ =	shalt  }
0x46: {  	_ =	shalt  }
0x47: {  	_ =	shalt  }
0x48: {  	_ =	shalt  }
0x49: {  	_ =	shalt  }
0x4a: {  	_ =	shalt  }
0x4b: {  	_ =	shalt  }
0x4c: {  	_ =	shalt  }
0x4d: {  	_ =	shalt  }
0x4e: {  	_ =	shalt  }
0x4f: {  	_ =	shalt  }
0x50: {  	_ =	shalt  }
0x51: {  	_ =	shalt  }
0x52: {  	_ =	shalt  }
0x53: {  	_ =	shalt  }
0x54: {  	_ =	shalt  }
0x55: {  	_ =	shalt  }
0x56: {  	_ =	shalt  }
0x57: {  	_ =	shalt  }
0x58: {  	_ =	shalt  }
0x59: {  	_ =	shalt  }
0x5a: {  	_ =	shalt  }
0x5b: {  	_ =	shalt  }
0x5c: {  	_ =	shalt  }
0x5d: {  	_ =	shalt  }
0x5e: {  	_ =	shalt  }
0x5f: {  	_ =	shalt  }
0x60: {  	_ =	shalt  }
0x61: {  	_ =	shalt  }
0x62: {  	_ =	shalt  }
0x63: {  	_ =	shalt  }
0x64: {  	_ =	shalt  }
0x65: {  	_ =	shalt  }
0x66: {  	_ =	shalt  }
0x67: {  	_ =	shalt  }
0x68: {  	_ =	shalt  }
0x69: {  	_ =	shalt  }
0x6a: {  	_ =	shalt  }
0x6b: {  	_ =	shalt  }
0x6c: {  	_ =	shalt  }
0x6d: {  	_ =	shalt  }
0x6e: {  	_ =	shalt  }
0x6f: {  	_ =	shalt  }
0x70: {  	_ =	shalt  }
0x71: {  	_ =	shalt  }
0x72: {  	_ =	shalt  }
0x73: {  	_ =	shalt  }
0x74: {  	_ =	shalt  }
0x75: {  	_ =	shalt  }
0x76: {  	_ =	shalt  }
0x77: {  	_ =	shalt  }
0x78: {  	_ =	shalt  }
0x79: {  	_ =	shalt  }
0x7a: {  	_ =	shalt  }
0x7b: {  	_ =	shalt  }
0x7c: {  	_ =	shalt  }
0x7d: {  	_ =	shalt  }
0x7e: {  	_ =	shalt  }
0x7f: {  	_ =	shalt  }
0x80: {  	_ =	shalt  }
0x81: {  	_ =	shalt  }
0x82: {  	_ =	shalt  }
0x83: {  	_ =	shalt  }
0x84: {  	_ =	shalt  }
0x85: {  	_ =	shalt  }
0x86: {  	_ =	shalt  }
0x87: {  	_ =	shalt  }
.Lfunc_end0:
.L_simem_size_0:
called_computation_lowered:
.L_overlay_start_0:
0x88: {  	s2 =	sld [smem:$0x3FD9]  }
0x89: {  	s3 =	sld [smem:$0x3FFE];
	_ =	sdelay $0x1  }
0x8a: {  	s1 =	srdreg.scid  }
0x8b: {  	s0 =	sand.u32 $0x1, s1  }
0x8c: {  	s17 =	sshll.u32 s0, $0xA;
	s2 =	sadd.s32 s3, s2  }
0x8d: {  	s2 =	sadd.s32 s2, s17  }
0x8e: {  	[smem:$0x3FC6] =	sst s2  }
0x8f: {  	_ = 	snop  }
0x90: {  	s2 =	sld [smem:$0x3FD0];
	(tm) =	ssettm $0x1  }
0x91: {  	s18 =	sld [smem:$0x3FFB];
	_ =	sdelay $0x3  }
0x92: {  	_ =	strace s18  }
0x93: {  	s3 =	sld [smem:$0x3FFC];
	_ =	sdelay $0x3  }
0x94: {  	_ =	strace s3  }
0x95: {  	s3 =	sld [smem:$0x3FFD];
	_ =	sdelay $0x3  }
0x96: {  	_ =	strace s3  }
0x97: {  	_ =	strace $0x8FFFFFFF  }
0x98: {  	s19 =	sld [smem:$0x3FDB];
	_ =	sdelay $0x1  }
0x99: {  	s4 =	simm.s32 $_scs_section_size  }
0x9a: {  	s5 =	simm.s32 $_size__tile_overlayer_lowered;
	s6 =	simm.s32 $_tile_overlayer_lowered  }
0x9b: {  	s22 =	simm.s32 $0x1BFF;
	s21 =	sshll.u32 s6, $0x1;
	s3 =	sadd.s32 s4, s19  }
0x9c: {  	s7 =	simm.s32 $0x0;
	s20 =	sshll.u32 s5, $0x1;
	s5 =	sadd.s32 s21, s3  }
0x9d: {  	[timem:s7], [sflag:s22] =	dma.local [hbm:s5], s20  }
0x9e: {  	_ =	swait.ge [sflag:s22], s20  }
0x9f: {  	s4 =	ssub.s32 $0x0, s20;
	[sflag:s22] =	ssyncset.done $0x0  }
0xa0: {  	[sflag:s22] =	ssyncadd.s32 s4;
	_ =	sdelay $0x1  }
0xa1: {  	s23 =	simm.s32 $0x1B8B  }
0xa2: {  	_ =	swait.ge [sflag:s23], $0x1  }
0xa3: {  	[sflag:s23] =	ssyncset.done $0x0  }
0xa4: {  	s25 =	simm.s32 $0x1B8E;
	s24 =	sld [smem:$0x3FFE];
	[sflag:s23] =	ssyncadd.s32 $0xFFFFFFFF  }
0xa5: {  	s26 =	simm.s32 $execute0_lowered;
	[smem:$0x3FD2] =	sst s25  }
0xa6: {  	s5 =	sshll.u32 s26, $0x1;
	_ =	strace $0x80000046;
	[dreg:$0x1] =	wrdreg $0xFFFFFFFF  }
0xa7: {  	s28 =	simm.s32 $_size_execute0_lowered;
	s3 =	sadd.s32 s3, s5;
	[dreg:$0x0] =	wrdreg $0x0  }
0xa8: {  	s5 =	sshll.u32 s28, $0x1;
	[dreg:$0x2] =	wrdreg s3  }
0xa9: {  	[dreg:$0x3] =	wrdreg s5  }
0xaa: {  	[dreg:$0x4] =	wrdreg $0xC0  }
0xab: {  	_ =	task [dreg:s7], $0x5FFFF  }
0xac: {  	[dreg:$0x1] =	wrdreg $0xFFFFFFFF  }
0xad: {  	[dreg:$0x0] =	wrdreg $0x60  }
0xae: {  	[dreg:$0x2] =	wrdreg s24  }
0xaf: {  	[dreg:$0x3] =	wrdreg s2  }
0xb0: {  	[dreg:$0x4] =	wrdreg $0x9  }
0xb1: {  	_ =	task.clear_ibuf [dreg:s7], $0x5FFFF;
	_ =	strace $0x90000046  }
0xb2: {  	s29 =	simm.s32 $0x9;
	_ =	strace $0x80000048  }
0xb3: {  	_ =	swait.ge [sflag:s29], $0x1  }
0xb4: {  	[sflag:s29] =	ssyncadd.s32 $0xFFFFFFFF  }
0xb5: {  	_ =	strace $0x90000048  }
0xb6: {  	_ =	sfence  }
0xb7: {  	s30 =	sld [smem:$0x0];
	_ =	sdelay $0x2  }
0xb8: {  	s31 =	sshll.u32 s1, $0xD;
	s1 =	sshrl.u32 s1, $0x2  }
0xb9: {  	s3 =	sand.u32 $0x4000, s31;
	s1 =	sadd.s32 s1, s30  }
0xba: {  	s0 =	sor.u32 s3, s0;
	s1 =	sshll.u32 s1, $0x11  }
0xbb: {  	s0 =	sor.u32 s1, s0  }
0xbc: {  	s0 =	sadd.s32 $0x8F2B, s0  }
0xbd: {  	[sflag:s0] =	ssyncadd.remote.s32 $0x1  }
0xbe: {  	_ =	sfence.sel $0xFFFF  }
0xbf: {  	[dreg:$0x0] =	wrdreg $0xFFFFFFFF;
	(pc) =	sbr.abs _section_cstart, $3  }
0xc0: {  	[dreg:$0x1] =	wrdreg $0xFFFFFFFF  }
0xc1: {  	_ =	task.clear_ibuf [dreg:s7], $0x2FFFF;
	_ =	strace $0x9FFFFFFF  }
0xc2: {  	(tm) =	ssettm $0x7FFFFFFF  }
0xc3: {  	_ =	shalt  }
tec
execute0_lowered:
.L_overlay_start_1:
0x0: {  	(tag) =	ssettag $0x1  }
0x1: {  	s4 =	rddreg [dreg:$0x0]  }
0x2: {  	s2 =	rddreg [dreg:$0x1]  }
0x3: {  	s0 =	rddreg [dreg:$0x2];
	s5 =	srdreg.scid  }
0x4: {  	s1 =	stileid.u32;
	s3 =	simm.s32 $0x0;
	s9 =	simm.s32 $0x80  }
0x5: {  	s10 =	simm.s32 $0x1000;
	s11 =	simm.s32 $0xFE00;
	s12 =	simm.s32 $0x400  }
0x6: {  	s13 =	simm.s32 $0x8000;
	s14 =	simm.s32 $0x16200;
	s15 =	simm.s32 $0x18200  }
0x7: {  	s16 =	simm.s32 $0x1;
	s17 =	simm.s32 $0x2;
	s18 =	simm.s32 $0x0  }
0x8: {  	s5 =	sand.u32 $0x1, s5;
	s6 =	sshll.u32 s1, $0x1;
	[smem:$0x7FF] =	sst s3  }
0x9: {  	s6 =	sor.u32 s5, s6;
	_ =	strace $0x80000047;
	s5 =	ssub.s32 $0x2, s5  }
0xa: {  	s7 =	sshll.u32 s6, $0x4;
	s8 =	sshrl.u32 s5, $0x1;
	s6 =	sshll.u32 s6, $0xA  }
0xb: {  	s7 =	sadd.s32 s7, s4;
	s4 =	sadd.s32 $0x400, s4;
	s8 =	ssub.s32 s5, s8  }
0xc: {  	s5 =	sadd.s32 $0x2400, s7;
	s7 =	smax.u32 s8, $0x1;
	s8 =	simm.s32 $0x3  }
.LBB2_1:
0xd: {  	[tilespmem:s3], [sflag:$0x3] =	stream.linear.gather [hbm4b:s4+s3], $0xFDE8, $0x38;
	[tilespmem:$0x1A200] =	vst v63  }
0xe: {  	_ =	swait.ge [sflag:s8], $0xFDE8  }
0xf: {  	[sflag:s8] =	ssyncset.done $0x0  }
0x10: {  	[sflag:s8] =	ssyncadd.s32 $0xFFFF0218  }
0x11: {  	[tilespmem:s11], [sflag:$0x3] =	stream.strided.gather [hbm4b:s5+s9], $0x6400, s10, s9, $0x38;
	[tilespmem:$0x1A200] =	vst v63  }
0x12: {  	_ =	swait.ge [sflag:s8], $0x6400  }
0x13: {  	[sflag:s8] =	ssyncset.done $0x0  }
0x14: {  	s19 =	simm.s32 $0x0;
	[sflag:s8] =	ssyncadd.s32 $0xFFFF9C00  }
0x15: {  	v3 =	vld [tilespmem:s19+$0x0]  }
0x16: {  	v5 =	vld [tilespmem:s19+$0x10]  }
0x17: {  	v4 =	vld [tilespmem:s19+$0x20]  }
0x18: {  	v2 =	vld [tilespmem:s19+$0x30]  }
0x19: {  	v0 =	vld [tilespmem:s19+$0x40]  }
0x1a: {  	v1 =	vld [tilespmem:s19+$0x50];
	v6 =	vmul.f32 $8.000000000e+00, v3  }
0x1b: {  	s20 =	simm.s32 $0x200;
	v5 =	vmul.f32 $8.000000000e+00, v5;
	v3 =	vld [tilespmem:s19+$0x60]  }
.LBB2_2:
0x1c: {  	s21 =	sshra.s32 s20, $0x2;
	p0 =	sne.s32 s20, $0x3F600;
	[tilespmem:s19+$0x0] =	vst v6;
	v4 =	vmul.f32 $8.000000000e+00, v4;
	v6 =	vld [tilespmem:s19+$0x70]  }
0x1d: {  	v7 =	vld [tilespmem:s21+$0x0];
	[tilespmem:s19+$0x10] =	vst v5;
	v2 =	vmul.f32 $8.000000000e+00, v2  }
0x1e: {  	v5 =	vld [tilespmem:s21+$0x10];
	[tilespmem:s19+$0x20] =	vst v4;
	v0 =	vmul.f32 $8.000000000e+00, v0  }
.Ltmp0:
0x1f: {  	v4 =	vld [tilespmem:s21+$0x20];
	[tilespmem:s19+$0x30] =	vst v2;
	v1 =	vmul.f32 $8.000000000e+00, v1;
	(pc) =	sbr.rel @p0 .LBB2_2-.Ltmp0, $4  }
0x20: {  	v2 =	vld [tilespmem:s21+$0x30];
	[tilespmem:s19+$0x40] =	vst v0;
	v3 =	vmul.f32 $8.000000000e+00, v3  }
0x21: {  	v0 =	vld [tilespmem:s21+$0x40];
	[tilespmem:s19+$0x50] =	vst v1;
	v8 =	vmul.f32 $8.000000000e+00, v6  }
0x22: {  	v6 =	vmul.f32 $8.000000000e+00, v7;
	v1 =	vld [tilespmem:s21+$0x50];
	[tilespmem:s19+$0x60] =	vst v3  }
0x23: {  	s20 =	sadd.s32 $0x200, s20;
	v5 =	vmul.f32 $8.000000000e+00, v5;
	v3 =	vld [tilespmem:s21+$0x60];
	[tilespmem:s19+$0x70] =	vst v8;
	s19 =	smov.u32 s21  }
0x24: {  	[tilespmem:s19+$0x0] =	vst v6;
	v4 =	vmul.f32 $8.000000000e+00, v4;
	v61 =	vld [tilespmem:s19+$0x70]  }
0x25: {  	[tilespmem:s19+$0x10] =	vst v5;
	v2 =	vmul.f32 $8.000000000e+00, v2  }
0x26: {  	[tilespmem:s19+$0x20] =	vst v4;
	v0 =	vmul.f32 $8.000000000e+00, v0  }
0x27: {  	[tilespmem:s19+$0x30] =	vst v2;
	v1 =	vmul.f32 $8.000000000e+00, v1  }
0x28: {  	[tilespmem:s19+$0x40] =	vst v0;
	v62 =	vmul.f32 $8.000000000e+00, v3  }
0x29: {  	[tilespmem:s19+$0x50] =	vst v1;
	v63 =	vmul.f32 $8.000000000e+00, v61  }
0x2a: {  	[tilespmem:s19+$0x60] =	vst v62  }
0x2b: {  	s20 =	simm.s32 $0x0;
	[tilespmem:s19+$0x70] =	vst v63;
	s19 =	simm.s32 $0x0  }
.LBB2_4:
0x2c: {  	p0 =	seq.s32 s20, $0x0  }
0x2d: {  	s21 =	simm.s32 @!p0 $0x1  }
0x2e: {  	_ =	swait.ge @!p0 [sflag:s21], $0x2000  }
0x2f: {  	s22 =	sshll.u32 s20, $0x8;
	[sflag:s21] =	ssyncset.done @!p0 $0x0  }
0x30: {  	s22 =	sand.u32 $0x3FFFFF00, s22;
	[sflag:s21] =	ssyncadd.s32 @!p0 $0xFFFFE000  }
0x31: {  	v0 =	vld [tilespmem:s22+$0xFE00];
	_ =	sdelay $0x4  }
0x32: {  	v0 =	vmul.u32 $0x41, v0  }
0x33: {  	s29 =	simm.s32 $0x7  }
0x34: {  	s23 =	simm.s32 $0x1;
	v1 =	vadd.s32 s29, v0  }
0x35: {  	s30 =	simm.s32 $0x2;
	v2 =	vadd.s32 s23, v0  }
0x36: {  	s31 =	simm.s32 $0x3;
	v3 =	vadd.s32 s30, v0  }
0x37: {  	v4 =	vadd.s32 s31, v0;
	s23 =	simm.s32 $0x4  }
0x38: {  	s24 =	simm.s32 $0x5;
	v5 =	vadd.s32 s23, v0  }
0x39: {  	v6 =	vadd.s32 s24, v0;
	s29 =	simm.s32 $0xA;
	v1 =	vld.idx.msk [tilespmem:v1+s3+$0x0], $0xffff  }
0x3a: {  	s25 =	simm.s32 $0x6;
	v15 =	vadd.s32 s29, v0;
	v7 =	vld.idx.msk [tilespmem:v2+s3+$0x0], $0xffff  }
0x3b: {  	v2 =	vadd.s32 s25, v0;
	v3 =	vld.idx.msk [tilespmem:v3+s3+$0x0], $0xffff  }
0x3c: {  	s26 =	simm.s32 $0xF;
	v8 =	vadd.s32 s19, v0;
	v12 =	vld.idx.msk [tilespmem:v4+s3+$0x0], $0xffff  }
0x3d: {  	s28 =	simm.s32 $0x9;
	v10 =	vadd.s32 s26, v0;
	v14 =	vld.idx.msk [tilespmem:v5+s3+$0x0], $0xffff  }
0x3e: {  	v13 =	vadd.s32 s28, v0;
	s30 =	simm.s32 $0xB;
	s23 =	simm.s32 $0x16400;
	v5 =	vld.idx.msk [tilespmem:v6+s3+$0x0], $0xffff  }
0x3f: {  	s24 =	simm.s32 $0xC;
	v9 =	vadd.s32 s30, v0;
	v6 =	vld.idx.msk [tilespmem:v15+s3+$0x0], $0xffff;
	[tilespmem:s23+$0x180] =	vst v1  }
0x40: {  	v11 =	vadd.s32 s24, v0;
	s25 =	simm.s32 $0xD;
	v4 =	vld.idx.msk [tilespmem:v2+s3+$0x0], $0xffff;
	[tilespmem:s23+$0xFFFFFE80] =	vst v7  }
0x41: {  	s31 =	simm.s32 $0xE;
	v2 =	vld.idx.msk [tilespmem:v8+s3+$0x0], $0xffff;
	[tilespmem:s23+$0xFFFFFF00] =	vst v3;
	v8 =	vadd.s32 s25, v0  }
0x42: {  	s21 =	sshll.u32 s20, $0x1;
	s28 =	simm.s32 $0x8;
	v1 =	vld.idx.msk [tilespmem:v10+s3+$0x0], $0xffff;
	[tilespmem:s23+$0xFFFFFF80] =	vst v12;
	v10 =	vadd.s32 s31, v0  }
0x43: {  	s26 =	simm.s32 $0x17;
	s24 =	simm.s32 $0x10;
	v3 =	vld.idx.msk [tilespmem:v13+s3+$0x0], $0xffff;
	s25 =	simm.s32 $0x18;
	v7 =	vadd.s32 s28, v0;
	[tilespmem:s23+$0x0] =	vst v14  }
.LBB2_5:
0x44: {  	p1 =	slt.u32 s25, $0x38;
	s28 =	sadd.s32 $0x1, s24;
	v12 =	vadd.s32 s26, v0;
	v13 =	vld.idx.msk [tilespmem:v9+s3+$0x0], $0xffff;
	[tilespmem:s23+$0x80] =	vst v5  }
0x45: {  	s26 =	sadd.s32 $0x2, s24;
	v14 =	vadd.s32 s28, v0;
	v15 =	vld.idx.msk [tilespmem:v11+s3+$0x0], $0xffff;
	[tilespmem:s23+$0x100] =	vst v4  }
0x46: {  	v16 =	vadd.s32 s26, v0;
	s26 =	sadd.s32 $0x3, s24;
	v5 =	vld.idx.msk [tilespmem:v8+s3+$0x0], $0xffff;
	[tilespmem:s23+$0xFFFFFE00] =	vst v2;
	s23 =	sadd.s32 $0x400, s23  }
.Ltmp1:
0x47: {  	v9 =	vadd.s32 s26, v0;
	s26 =	sadd.s32 $0x4, s24;
	v4 =	vld.idx.msk [tilespmem:v10+s3+$0x0], $0xffff;
	[tilespmem:s23+$0x180] =	vst v1;
	(pc) =	sbr.rel @p1 .LBB2_5-.Ltmp1, $4  }
0x48: {  	v11 =	vadd.s32 s26, v0;
	s26 =	sadd.s32 $0x5, s24;
	v2 =	vld.idx.msk [tilespmem:v7+s3+$0x0], $0xffff;
	[tilespmem:s23+$0xFFFFFE80] =	vst v3  }
0x49: {  	v8 =	vadd.s32 s26, v0;
	s26 =	sadd.s32 $0x6, s24;
	v1 =	vld.idx.msk [tilespmem:v12+s3+$0x0], $0xffff;
	[tilespmem:s23+$0xFFFFFF00] =	vst v6  }
0x4a: {  	v10 =	vadd.s32 s26, v0;
	v3 =	vld.idx.msk [tilespmem:v14+s3+$0x0], $0xffff;
	[tilespmem:s23+$0xFFFFFF80] =	vst v13  }
0x4b: {  	v7 =	vadd.s32 s24, v0;
	s24 =	smov.u32 s25;
	s26 =	sadd.s32 $0x7, s25;
	s25 =	sadd.s32 $0x8, s25;
	v6 =	vld.idx.msk [tilespmem:v16+s3+$0x0], $0xffff;
	[tilespmem:s23+$0x0] =	vst v15  }
0x4c: {  	_ =	sdelay $0x2  }
0x4d: {  	[tilespmem:s23+$0x80] =	vst v5  }
0x4e: {  	s25 =	sadd.s32 $0x1, s24;
	v5 =	vadd.s32 s26, v0;
	v9 =	vld.idx.msk [tilespmem:v9+s3+$0x0], $0xffff;
	[tilespmem:s23+$0x100] =	vst v4  }
0x4f: {  	s29 =	sadd.s32 $0x2, s24;
	v11 =	vld.idx.msk [tilespmem:v11+s3+$0x0], $0xffff;
	s30 =	sadd.s32 $0x400, s23;
	v4 =	vadd.s32 s25, v0;
	[tilespmem:s23+$0xFFFFFE00] =	vst v2  }
0x50: {  	s31 =	sadd.s32 $0x3, s24;
	v8 =	vld.idx.msk [tilespmem:v8+s3+$0x0], $0xffff;
	v2 =	vadd.s32 s29, v0;
	[tilespmem:s30+$0x180] =	vst v1  }
0x51: {  	s26 =	sadd.s32 $0x4, s24;
	v10 =	vld.idx.msk [tilespmem:v10+s3+$0x0], $0xffff;
	v1 =	vadd.s32 s31, v0;
	[tilespmem:s30+$0xFFFFFE80] =	vst v3  }
0x52: {  	s28 =	sadd.s32 $0x5, s24;
	v7 =	vld.idx.msk [tilespmem:v7+s3+$0x0], $0xffff;
	v3 =	vadd.s32 s26, v0;
	[tilespmem:s30+$0xFFFFFF00] =	vst v6  }
0x53: {  	s29 =	sadd.s32 $0x6, s24;
	v6 =	vadd.s32 s28, v0;
	v5 =	vld.idx.msk [tilespmem:v5+s3+$0x0], $0xffff;
	[tilespmem:s30+$0xFFFFFF80] =	vst v9  }
0x54: {  	v9 =	vadd.s32 s29, v0;
	[tilespmem:s30+$0x0] =	vst v11;
	v4 =	vld.idx.msk [tilespmem:v4+s3+$0x0], $0xffff  }
0x55: {  	v0 =	vadd.s32 s24, v0;
	[tilespmem:s30+$0x80] =	vst v8;
	v2 =	vld.idx.msk [tilespmem:v2+s3+$0x0], $0xffff  }
0x56: {  	[tilespmem:s30+$0x100] =	vst v10;
	v1 =	vld.idx.msk [tilespmem:v1+s3+$0x0], $0xffff  }
0x57: {  	s23 =	sadd.s32 $0x400, s30;
	[tilespmem:s30+$0xFFFFFE00] =	vst v7;
	v3 =	vld.idx.msk [tilespmem:v3+s3+$0x0], $0xffff  }
0x58: {  	v6 =	vld.idx.msk [tilespmem:v6+s3+$0x0], $0xffff;
	[tilespmem:s23+$0x180] =	vst v5  }
0x59: {  	v5 =	vld.idx.msk [tilespmem:v9+s3+$0x0], $0xffff;
	[tilespmem:s23+$0xFFFFFE80] =	vst v4  }
0x5a: {  	v0 =	vld.idx.msk [tilespmem:v0+s3+$0x0], $0xffff;
	[tilespmem:s23+$0xFFFFFF00] =	vst v2  }
0x5b: {  	[tilespmem:s23+$0xFFFFFF80] =	vst v1  }
0x5c: {  	[tilespmem:s23+$0x0] =	vst v3  }
0x5d: {  	[tilespmem:s23+$0x80] =	vst v6  }
0x5e: {  	[tilespmem:s23+$0x100] =	vst v5  }
0x5f: {  	[tilespmem:s23+$0xFFFFFE00] =	vst v0  }
0x60: {  	v0 =	vld [tilespmem:s22+$0xFE10];
	_ =	sdelay $0x4  }
0x61: {  	v0 =	vmul.u32 $0x41, v0  }
0x62: {  	s30 =	simm.s32 $0x7  }
0x63: {  	s31 =	simm.s32 $0x1;
	v1 =	vadd.s32 s30, v0  }
0x64: {  	s24 =	simm.s32 $0x2;
	v2 =	vadd.s32 s31, v0  }
0x65: {  	s25 =	simm.s32 $0x3;
	v3 =	vadd.s32 s24, v0  }
0x66: {  	s26 =	simm.s32 $0x4;
	v4 =	vadd.s32 s25, v0  }
0x67: {  	s28 =	simm.s32 $0x5;
	v5 =	vadd.s32 s26, v0  }
0x68: {  	s29 =	simm.s32 $0x6;
	v6 =	vadd.s32 s28, v0;
	v1 =	vld.idx.msk [tilespmem:v1+s3+$0x0], $0xffff  }
0x69: {  	v7 =	vadd.s32 s29, v0;
	s31 =	simm.s32 $0xF;
	v2 =	vld.idx.msk [tilespmem:v2+s3+$0x0], $0xffff  }
0x6a: {  	s30 =	simm.s32 $0x0;
	v11 =	vadd.s32 s31, v0;
	v9 =	vld.idx.msk [tilespmem:v3+s3+$0x0], $0xffff  }
0x6b: {  	s26 =	simm.s32 $0xA;
	v8 =	vadd.s32 s30, v0;
	v12 =	vld.idx.msk [tilespmem:v4+s3+$0x0], $0xffff  }
0x6c: {  	s25 =	simm.s32 $0x9;
	v15 =	vadd.s32 s26, v0;
	v14 =	vld.idx.msk [tilespmem:v5+s3+$0x0], $0xffff  }
0x6d: {  	s23 =	simm.s32 $0x16410;
	s28 =	simm.s32 $0xB;
	v13 =	vadd.s32 s25, v0;
	v5 =	vld.idx.msk [tilespmem:v6+s3+$0x0], $0xffff  }
0x6e: {  	s29 =	simm.s32 $0xC;
	v10 =	vadd.s32 s28, v0;
	v4 =	vld.idx.msk [tilespmem:v7+s3+$0x0], $0xffff;
	[tilespmem:s23+$0x180] =	vst v1  }
0x6f: {  	s30 =	simm.s32 $0xD;
	[tilespmem:s23+$0xFFFFFE80] =	vst v2;
	v1 =	vld.idx.msk [tilespmem:v11+s3+$0x0], $0xffff;
	v11 =	vadd.s32 s29, v0  }
0x70: {  	s31 =	simm.s32 $0xE;
	v3 =	vld.idx.msk [tilespmem:v8+s3+$0x0], $0xffff;
	v8 =	vadd.s32 s30, v0;
	[tilespmem:s23+$0xFFFFFF00] =	vst v9  }
0x71: {  	s28 =	simm.s32 $0x8;
	v6 =	vld.idx.msk [tilespmem:v15+s3+$0x0], $0xffff;
	[tilespmem:s23+$0xFFFFFF80] =	vst v12;
	v9 =	vadd.s32 s31, v0  }
0x72: {  	s24 =	simm.s32 $0x10;
	s26 =	simm.s32 $0x17;
	s25 =	simm.s32 $0x18;
	v7 =	vadd.s32 s28, v0;
	v2 =	vld.idx.msk [tilespmem:v13+s3+$0x0], $0xffff;
	[tilespmem:s23+$0x0] =	vst v14  }
.LBB2_7:
0x73: {  	p1 =	slt.u32 s25, $0x38;
	s28 =	sadd.s32 $0x1, s24;
	v12 =	vadd.s32 s26, v0;
	v13 =	vld.idx.msk [tilespmem:v10+s3+$0x0], $0xffff;
	[tilespmem:s23+$0x80] =	vst v5  }
0x74: {  	s26 =	sadd.s32 $0x2, s24;
	v14 =	vadd.s32 s28, v0;
	v15 =	vld.idx.msk [tilespmem:v11+s3+$0x0], $0xffff;
	[tilespmem:s23+$0x100] =	vst v4  }
0x75: {  	v16 =	vadd.s32 s26, v0;
	s26 =	sadd.s32 $0x3, s24;
	v5 =	vld.idx.msk [tilespmem:v8+s3+$0x0], $0xffff;
	[tilespmem:s23+$0xFFFFFE00] =	vst v3;
	s23 =	sadd.s32 $0x400, s23  }
.Ltmp2:
0x76: {  	v10 =	vadd.s32 s26, v0;
	s26 =	sadd.s32 $0x4, s24;
	v4 =	vld.idx.msk [tilespmem:v9+s3+$0x0], $0xffff;
	[tilespmem:s23+$0x180] =	vst v1;
	(pc) =	sbr.rel @p1 .LBB2_7-.Ltmp2, $4  }
0x77: {  	v11 =	vadd.s32 s26, v0;
	s26 =	sadd.s32 $0x5, s24;
	v3 =	vld.idx.msk [tilespmem:v7+s3+$0x0], $0xffff;
	[tilespmem:s23+$0xFFFFFE80] =	vst v2  }
0x78: {  	v8 =	vadd.s32 s26, v0;
	s26 =	sadd.s32 $0x6, s24;
	v1 =	vld.idx.msk [tilespmem:v12+s3+$0x0], $0xffff;
	[tilespmem:s23+$0xFFFFFF00] =	vst v6  }
0x79: {  	v9 =	vadd.s32 s26, v0;
	v2 =	vld.idx.msk [tilespmem:v14+s3+$0x0], $0xffff;
	[tilespmem:s23+$0xFFFFFF80] =	vst v13  }
0x7a: {  	v7 =	vadd.s32 s24, v0;
	s24 =	smov.u32 s25;
	s26 =	sadd.s32 $0x7, s25;
	s25 =	sadd.s32 $0x8, s25;
	v6 =	vld.idx.msk [tilespmem:v16+s3+$0x0], $0xffff;
	[tilespmem:s23+$0x0] =	vst v15  }
0x7b: {  	_ =	sdelay $0x2  }
0x7c: {  	[tilespmem:s23+$0x80] =	vst v5  }
0x7d: {  	s25 =	sadd.s32 $0x1, s24;
	v5 =	vadd.s32 s26, v0;
	v10 =	vld.idx.msk [tilespmem:v10+s3+$0x0], $0xffff;
	[tilespmem:s23+$0x100] =	vst v4  }
0x7e: {  	s29 =	sadd.s32 $0x2, s24;
	v11 =	vld.idx.msk [tilespmem:v11+s3+$0x0], $0xffff;
	s30 =	sadd.s32 $0x400, s23;
	v4 =	vadd.s32 s25, v0;
	[tilespmem:s23+$0xFFFFFE00] =	vst v3  }
0x7f: {  	s31 =	sadd.s32 $0x3, s24;
	v8 =	vld.idx.msk [tilespmem:v8+s3+$0x0], $0xffff;
	v3 =	vadd.s32 s29, v0;
	[tilespmem:s30+$0x180] =	vst v1  }
0x80: {  	s26 =	sadd.s32 $0x4, s24;
	v9 =	vld.idx.msk [tilespmem:v9+s3+$0x0], $0xffff;
	v1 =	vadd.s32 s31, v0;
	[tilespmem:s30+$0xFFFFFE80] =	vst v2  }
0x81: {  	s28 =	sadd.s32 $0x5, s24;
	v7 =	vld.idx.msk [tilespmem:v7+s3+$0x0], $0xffff;
	v2 =	vadd.s32 s26, v0;
	[tilespmem:s30+$0xFFFFFF00] =	vst v6  }
0x82: {  	s29 =	sadd.s32 $0x6, s24;
	v6 =	vadd.s32 s28, v0;
	v5 =	vld.idx.msk [tilespmem:v5+s3+$0x0], $0xffff;
	[tilespmem:s30+$0xFFFFFF80] =	vst v10  }
0x83: {  	v10 =	vadd.s32 s29, v0;
	[tilespmem:s30+$0x0] =	vst v11;
	v4 =	vld.idx.msk [tilespmem:v4+s3+$0x0], $0xffff  }
0x84: {  	v0 =	vadd.s32 s24, v0;
	[tilespmem:s30+$0x80] =	vst v8;
	v3 =	vld.idx.msk [tilespmem:v3+s3+$0x0], $0xffff  }
0x85: {  	[tilespmem:s30+$0x100] =	vst v9;
	v1 =	vld.idx.msk [tilespmem:v1+s3+$0x0], $0xffff  }
0x86: {  	s23 =	sadd.s32 $0x400, s30;
	[tilespmem:s30+$0xFFFFFE00] =	vst v7;
	v2 =	vld.idx.msk [tilespmem:v2+s3+$0x0], $0xffff  }
0x87: {  	v6 =	vld.idx.msk [tilespmem:v6+s3+$0x0], $0xffff;
	[tilespmem:s23+$0x180] =	vst v5  }
0x88: {  	v5 =	vld.idx.msk [tilespmem:v10+s3+$0x0], $0xffff;
	[tilespmem:s23+$0xFFFFFE80] =	vst v4  }
0x89: {  	v0 =	vld.idx.msk [tilespmem:v0+s3+$0x0], $0xffff;
	[tilespmem:s23+$0xFFFFFF00] =	vst v3  }
0x8a: {  	[tilespmem:s23+$0xFFFFFF80] =	vst v1  }
0x8b: {  	[tilespmem:s23+$0x0] =	vst v2  }
0x8c: {  	[tilespmem:s23+$0x80] =	vst v6  }
0x8d: {  	[tilespmem:s23+$0x100] =	vst v5  }
0x8e: {  	[tilespmem:s23+$0xFFFFFE00] =	vst v0  }
0x8f: {  	v0 =	vld [tilespmem:s22+$0xFE20];
	_ =	sdelay $0x4  }
0x90: {  	v0 =	vmul.u32 $0x41, v0  }
0x91: {  	s30 =	simm.s32 $0x7  }
0x92: {  	s31 =	simm.s32 $0x1;
	v1 =	vadd.s32 s30, v0  }
0x93: {  	s24 =	simm.s32 $0x2;
	v2 =	vadd.s32 s31, v0  }
0x94: {  	s25 =	simm.s32 $0x3;
	v3 =	vadd.s32 s24, v0  }
0x95: {  	s26 =	simm.s32 $0x4;
	v4 =	vadd.s32 s25, v0  }
0x96: {  	s28 =	simm.s32 $0x5;
	v5 =	vadd.s32 s26, v0  }
0x97: {  	s29 =	simm.s32 $0x6;
	v6 =	vadd.s32 s28, v0;
	v1 =	vld.idx.msk [tilespmem:v1+s3+$0x0], $0xffff  }
0x98: {  	v7 =	vadd.s32 s29, v0;
	s31 =	simm.s32 $0xF;
	v2 =	vld.idx.msk [tilespmem:v2+s3+$0x0], $0xffff  }
0x99: {  	s30 =	simm.s32 $0x0;
	v11 =	vadd.s32 s31, v0;
	v9 =	vld.idx.msk [tilespmem:v3+s3+$0x0], $0xffff  }
0x9a: {  	s26 =	simm.s32 $0xA;
	v8 =	vadd.s32 s30, v0;
	v12 =	vld.idx.msk [tilespmem:v4+s3+$0x0], $0xffff  }
0x9b: {  	s25 =	simm.s32 $0x9;
	v15 =	vadd.s32 s26, v0;
	v14 =	vld.idx.msk [tilespmem:v5+s3+$0x0], $0xffff  }
0x9c: {  	s23 =	simm.s32 $0x16420;
	s28 =	simm.s32 $0xB;
	v13 =	vadd.s32 s25, v0;
	v5 =	vld.idx.msk [tilespmem:v6+s3+$0x0], $0xffff  }
0x9d: {  	s29 =	simm.s32 $0xC;
	v10 =	vadd.s32 s28, v0;
	v4 =	vld.idx.msk [tilespmem:v7+s3+$0x0], $0xffff;
	[tilespmem:s23+$0x180] =	vst v1  }
0x9e: {  	s30 =	simm.s32 $0xD;
	[tilespmem:s23+$0xFFFFFE80] =	vst v2;
	v1 =	vld.idx.msk [tilespmem:v11+s3+$0x0], $0xffff;
	v11 =	vadd.s32 s29, v0  }
0x9f: {  	s31 =	simm.s32 $0xE;
	v3 =	vld.idx.msk [tilespmem:v8+s3+$0x0], $0xffff;
	v8 =	vadd.s32 s30, v0;
	[tilespmem:s23+$0xFFFFFF00] =	vst v9  }
0xa0: {  	s28 =	simm.s32 $0x8;
	v6 =	vld.idx.msk [tilespmem:v15+s3+$0x0], $0xffff;
	[tilespmem:s23+$0xFFFFFF80] =	vst v12;
	v9 =	vadd.s32 s31, v0  }
0xa1: {  	s24 =	simm.s32 $0x10;
	s26 =	simm.s32 $0x17;
	s25 =	simm.s32 $0x18;
	v7 =	vadd.s32 s28, v0;
	v2 =	vld.idx.msk [tilespmem:v13+s3+$0x0], $0xffff;
	[tilespmem:s23+$0x0] =	vst v14  }
.LBB2_9:
0xa2: {  	p1 =	slt.u32 s25, $0x38;
	s28 =	sadd.s32 $0x1, s24;
	v12 =	vadd.s32 s26, v0;
	v13 =	vld.idx.msk [tilespmem:v10+s3+$0x0], $0xffff;
	[tilespmem:s23+$0x80] =	vst v5  }
0xa3: {  	s26 =	sadd.s32 $0x2, s24;
	v14 =	vadd.s32 s28, v0;
	v15 =	vld.idx.msk [tilespmem:v11+s3+$0x0], $0xffff;
	[tilespmem:s23+$0x100] =	vst v4  }
0xa4: {  	v16 =	vadd.s32 s26, v0;
	s26 =	sadd.s32 $0x3, s24;
	v5 =	vld.idx.msk [tilespmem:v8+s3+$0x0], $0xffff;
	[tilespmem:s23+$0xFFFFFE00] =	vst v3;
	s23 =	sadd.s32 $0x400, s23  }
.Ltmp3:
0xa5: {  	v10 =	vadd.s32 s26, v0;
	s26 =	sadd.s32 $0x4, s24;
	v4 =	vld.idx.msk [tilespmem:v9+s3+$0x0], $0xffff;
	[tilespmem:s23+$0x180] =	vst v1;
	(pc) =	sbr.rel @p1 .LBB2_9-.Ltmp3, $4  }
0xa6: {  	v11 =	vadd.s32 s26, v0;
	s26 =	sadd.s32 $0x5, s24;
	v3 =	vld.idx.msk [tilespmem:v7+s3+$0x0], $0xffff;
	[tilespmem:s23+$0xFFFFFE80] =	vst v2  }
0xa7: {  	v8 =	vadd.s32 s26, v0;
	s26 =	sadd.s32 $0x6, s24;
	v1 =	vld.idx.msk [tilespmem:v12+s3+$0x0], $0xffff;
	[tilespmem:s23+$0xFFFFFF00] =	vst v6  }
0xa8: {  	v9 =	vadd.s32 s26, v0;
	v2 =	vld.idx.msk [tilespmem:v14+s3+$0x0], $0xffff;
	[tilespmem:s23+$0xFFFFFF80] =	vst v13  }
0xa9: {  	v7 =	vadd.s32 s24, v0;
	s24 =	smov.u32 s25;
	s26 =	sadd.s32 $0x7, s25;
	s25 =	sadd.s32 $0x8, s25;
	v6 =	vld.idx.msk [tilespmem:v16+s3+$0x0], $0xffff;
	[tilespmem:s23+$0x0] =	vst v15  }
0xaa: {  	_ =	sdelay $0x2  }
0xab: {  	[tilespmem:s23+$0x80] =	vst v5  }
0xac: {  	s25 =	sadd.s32 $0x1, s24;
	v5 =	vadd.s32 s26, v0;
	v10 =	vld.idx.msk [tilespmem:v10+s3+$0x0], $0xffff;
	[tilespmem:s23+$0x100] =	vst v4  }
0xad: {  	s29 =	sadd.s32 $0x2, s24;
	v11 =	vld.idx.msk [tilespmem:v11+s3+$0x0], $0xffff;
	s30 =	sadd.s32 $0x400, s23;
	v4 =	vadd.s32 s25, v0;
	[tilespmem:s23+$0xFFFFFE00] =	vst v3  }
0xae: {  	s31 =	sadd.s32 $0x3, s24;
	v8 =	vld.idx.msk [tilespmem:v8+s3+$0x0], $0xffff;
	v3 =	vadd.s32 s29, v0;
	[tilespmem:s30+$0x180] =	vst v1  }
0xaf: {  	s26 =	sadd.s32 $0x4, s24;
	v9 =	vld.idx.msk [tilespmem:v9+s3+$0x0], $0xffff;
	v1 =	vadd.s32 s31, v0;
	[tilespmem:s30+$0xFFFFFE80] =	vst v2  }
0xb0: {  	s28 =	sadd.s32 $0x5, s24;
	v7 =	vld.idx.msk [tilespmem:v7+s3+$0x0], $0xffff;
	v2 =	vadd.s32 s26, v0;
	[tilespmem:s30+$0xFFFFFF00] =	vst v6  }
0xb1: {  	s29 =	sadd.s32 $0x6, s24;
	v6 =	vadd.s32 s28, v0;
	v5 =	vld.idx.msk [tilespmem:v5+s3+$0x0], $0xffff;
	[tilespmem:s30+$0xFFFFFF80] =	vst v10  }
0xb2: {  	v10 =	vadd.s32 s29, v0;
	[tilespmem:s30+$0x0] =	vst v11;
	v4 =	vld.idx.msk [tilespmem:v4+s3+$0x0], $0xffff  }
0xb3: {  	v0 =	vadd.s32 s24, v0;
	[tilespmem:s30+$0x80] =	vst v8;
	v3 =	vld.idx.msk [tilespmem:v3+s3+$0x0], $0xffff  }
0xb4: {  	[tilespmem:s30+$0x100] =	vst v9;
	v1 =	vld.idx.msk [tilespmem:v1+s3+$0x0], $0xffff  }
0xb5: {  	s23 =	sadd.s32 $0x400, s30;
	[tilespmem:s30+$0xFFFFFE00] =	vst v7;
	v2 =	vld.idx.msk [tilespmem:v2+s3+$0x0], $0xffff  }
0xb6: {  	v6 =	vld.idx.msk [tilespmem:v6+s3+$0x0], $0xffff;
	[tilespmem:s23+$0x180] =	vst v5  }
0xb7: {  	v5 =	vld.idx.msk [tilespmem:v10+s3+$0x0], $0xffff;
	[tilespmem:s23+$0xFFFFFE80] =	vst v4  }
0xb8: {  	v0 =	vld.idx.msk [tilespmem:v0+s3+$0x0], $0xffff;
	[tilespmem:s23+$0xFFFFFF00] =	vst v3  }
0xb9: {  	[tilespmem:s23+$0xFFFFFF80] =	vst v1  }
0xba: {  	[tilespmem:s23+$0x0] =	vst v2  }
0xbb: {  	[tilespmem:s23+$0x80] =	vst v6  }
0xbc: {  	[tilespmem:s23+$0x100] =	vst v5  }
0xbd: {  	[tilespmem:s23+$0xFFFFFE00] =	vst v0  }
0xbe: {  	v0 =	vld [tilespmem:s22+$0xFE30];
	_ =	sdelay $0x4  }
0xbf: {  	v0 =	vmul.u32 $0x41, v0  }
0xc0: {  	s30 =	simm.s32 $0x7  }
0xc1: {  	s31 =	simm.s32 $0x1;
	v1 =	vadd.s32 s30, v0  }
0xc2: {  	s24 =	simm.s32 $0x2;
	v2 =	vadd.s32 s31, v0  }
0xc3: {  	s25 =	simm.s32 $0x3;
	v3 =	vadd.s32 s24, v0  }
0xc4: {  	s26 =	simm.s32 $0x4;
	v4 =	vadd.s32 s25, v0  }
0xc5: {  	s28 =	simm.s32 $0x5;
	v5 =	vadd.s32 s26, v0  }
0xc6: {  	s29 =	simm.s32 $0x6;
	v6 =	vadd.s32 s28, v0;
	v1 =	vld.idx.msk [tilespmem:v1+s3+$0x0], $0xffff  }
0xc7: {  	v7 =	vadd.s32 s29, v0;
	s31 =	simm.s32 $0xF;
	v2 =	vld.idx.msk [tilespmem:v2+s3+$0x0], $0xffff  }
0xc8: {  	s30 =	simm.s32 $0x0;
	v11 =	vadd.s32 s31, v0;
	v9 =	vld.idx.msk [tilespmem:v3+s3+$0x0], $0xffff  }
0xc9: {  	s26 =	simm.s32 $0xA;
	v8 =	vadd.s32 s30, v0;
	v12 =	vld.idx.msk [tilespmem:v4+s3+$0x0], $0xffff  }
0xca: {  	s25 =	simm.s32 $0x9;
	v15 =	vadd.s32 s26, v0;
	v14 =	vld.idx.msk [tilespmem:v5+s3+$0x0], $0xffff  }
0xcb: {  	s23 =	simm.s32 $0x16430;
	s28 =	simm.s32 $0xB;
	v13 =	vadd.s32 s25, v0;
	v5 =	vld.idx.msk [tilespmem:v6+s3+$0x0], $0xffff  }
0xcc: {  	s29 =	simm.s32 $0xC;
	v10 =	vadd.s32 s28, v0;
	v4 =	vld.idx.msk [tilespmem:v7+s3+$0x0], $0xffff;
	[tilespmem:s23+$0x180] =	vst v1  }
0xcd: {  	s30 =	simm.s32 $0xD;
	[tilespmem:s23+$0xFFFFFE80] =	vst v2;
	v1 =	vld.idx.msk [tilespmem:v11+s3+$0x0], $0xffff;
	v11 =	vadd.s32 s29, v0  }
0xce: {  	s31 =	simm.s32 $0xE;
	v3 =	vld.idx.msk [tilespmem:v8+s3+$0x0], $0xffff;
	v8 =	vadd.s32 s30, v0;
	[tilespmem:s23+$0xFFFFFF00] =	vst v9  }
0xcf: {  	s28 =	simm.s32 $0x8;
	v6 =	vld.idx.msk [tilespmem:v15+s3+$0x0], $0xffff;
	[tilespmem:s23+$0xFFFFFF80] =	vst v12;
	v9 =	vadd.s32 s31, v0  }
0xd0: {  	s24 =	simm.s32 $0x10;
	s26 =	simm.s32 $0x17;
	s25 =	simm.s32 $0x18;
	v7 =	vadd.s32 s28, v0;
	v2 =	vld.idx.msk [tilespmem:v13+s3+$0x0], $0xffff;
	[tilespmem:s23+$0x0] =	vst v14  }
.LBB2_11:
0xd1: {  	p1 =	slt.u32 s25, $0x38;
	s28 =	sadd.s32 $0x1, s24;
	v12 =	vadd.s32 s26, v0;
	v13 =	vld.idx.msk [tilespmem:v10+s3+$0x0], $0xffff;
	[tilespmem:s23+$0x80] =	vst v5  }
0xd2: {  	s26 =	sadd.s32 $0x2, s24;
	v14 =	vadd.s32 s28, v0;
	v15 =	vld.idx.msk [tilespmem:v11+s3+$0x0], $0xffff;
	[tilespmem:s23+$0x100] =	vst v4  }
0xd3: {  	v16 =	vadd.s32 s26, v0;
	s26 =	sadd.s32 $0x3, s24;
	v5 =	vld.idx.msk [tilespmem:v8+s3+$0x0], $0xffff;
	[tilespmem:s23+$0xFFFFFE00] =	vst v3;
	s23 =	sadd.s32 $0x400, s23  }
.Ltmp4:
0xd4: {  	v10 =	vadd.s32 s26, v0;
	s26 =	sadd.s32 $0x4, s24;
	v4 =	vld.idx.msk [tilespmem:v9+s3+$0x0], $0xffff;
	[tilespmem:s23+$0x180] =	vst v1;
	(pc) =	sbr.rel @p1 .LBB2_11-.Ltmp4, $4  }
0xd5: {  	v11 =	vadd.s32 s26, v0;
	s26 =	sadd.s32 $0x5, s24;
	v3 =	vld.idx.msk [tilespmem:v7+s3+$0x0], $0xffff;
	[tilespmem:s23+$0xFFFFFE80] =	vst v2  }
0xd6: {  	v8 =	vadd.s32 s26, v0;
	s26 =	sadd.s32 $0x6, s24;
	v1 =	vld.idx.msk [tilespmem:v12+s3+$0x0], $0xffff;
	[tilespmem:s23+$0xFFFFFF00] =	vst v6  }
0xd7: {  	v9 =	vadd.s32 s26, v0;
	v2 =	vld.idx.msk [tilespmem:v14+s3+$0x0], $0xffff;
	[tilespmem:s23+$0xFFFFFF80] =	vst v13  }
0xd8: {  	v7 =	vadd.s32 s24, v0;
	s24 =	smov.u32 s25;
	s26 =	sadd.s32 $0x7, s25;
	s25 =	sadd.s32 $0x8, s25;
	v6 =	vld.idx.msk [tilespmem:v16+s3+$0x0], $0xffff;
	[tilespmem:s23+$0x0] =	vst v15  }
0xd9: {  	_ =	sdelay $0x2  }
0xda: {  	[tilespmem:s23+$0x80] =	vst v5  }
0xdb: {  	s25 =	sadd.s32 $0x1, s24;
	v5 =	vadd.s32 s26, v0;
	v10 =	vld.idx.msk [tilespmem:v10+s3+$0x0], $0xffff;
	[tilespmem:s23+$0x100] =	vst v4  }
0xdc: {  	s29 =	sadd.s32 $0x2, s24;
	v11 =	vld.idx.msk [tilespmem:v11+s3+$0x0], $0xffff;
	s30 =	sadd.s32 $0x400, s23;
	v4 =	vadd.s32 s25, v0;
	[tilespmem:s23+$0xFFFFFE00] =	vst v3  }
0xdd: {  	s31 =	sadd.s32 $0x3, s24;
	v8 =	vld.idx.msk [tilespmem:v8+s3+$0x0], $0xffff;
	v3 =	vadd.s32 s29, v0;
	[tilespmem:s30+$0x180] =	vst v1  }
0xde: {  	s26 =	sadd.s32 $0x4, s24;
	v9 =	vld.idx.msk [tilespmem:v9+s3+$0x0], $0xffff;
	v1 =	vadd.s32 s31, v0;
	[tilespmem:s30+$0xFFFFFE80] =	vst v2  }
0xdf: {  	s28 =	sadd.s32 $0x5, s24;
	v7 =	vld.idx.msk [tilespmem:v7+s3+$0x0], $0xffff;
	v2 =	vadd.s32 s26, v0;
	[tilespmem:s30+$0xFFFFFF00] =	vst v6  }
0xe0: {  	s29 =	sadd.s32 $0x6, s24;
	v6 =	vadd.s32 s28, v0;
	v5 =	vld.idx.msk [tilespmem:v5+s3+$0x0], $0xffff;
	[tilespmem:s30+$0xFFFFFF80] =	vst v10  }
0xe1: {  	v10 =	vadd.s32 s29, v0;
	[tilespmem:s30+$0x0] =	vst v11;
	v4 =	vld.idx.msk [tilespmem:v4+s3+$0x0], $0xffff  }
0xe2: {  	v0 =	vadd.s32 s24, v0;
	[tilespmem:s30+$0x80] =	vst v8;
	v3 =	vld.idx.msk [tilespmem:v3+s3+$0x0], $0xffff  }
0xe3: {  	[tilespmem:s30+$0x100] =	vst v9;
	v1 =	vld.idx.msk [tilespmem:v1+s3+$0x0], $0xffff  }
0xe4: {  	s23 =	sadd.s32 $0x400, s30;
	[tilespmem:s30+$0xFFFFFE00] =	vst v7;
	v2 =	vld.idx.msk [tilespmem:v2+s3+$0x0], $0xffff  }
0xe5: {  	v6 =	vld.idx.msk [tilespmem:v6+s3+$0x0], $0xffff;
	[tilespmem:s23+$0x180] =	vst v5  }
0xe6: {  	v5 =	vld.idx.msk [tilespmem:v10+s3+$0x0], $0xffff;
	[tilespmem:s23+$0xFFFFFE80] =	vst v4  }
0xe7: {  	v0 =	vld.idx.msk [tilespmem:v0+s3+$0x0], $0xffff;
	[tilespmem:s23+$0xFFFFFF00] =	vst v3  }
0xe8: {  	[tilespmem:s23+$0xFFFFFF80] =	vst v1  }
0xe9: {  	[tilespmem:s23+$0x0] =	vst v2  }
0xea: {  	[tilespmem:s23+$0x80] =	vst v6  }
0xeb: {  	[tilespmem:s23+$0x100] =	vst v5  }
0xec: {  	[tilespmem:s23+$0xFFFFFE00] =	vst v0  }
0xed: {  	v0 =	vld [tilespmem:s22+$0xFE40];
	_ =	sdelay $0x4  }
0xee: {  	v0 =	vmul.u32 $0x41, v0  }
0xef: {  	s30 =	simm.s32 $0x7  }
0xf0: {  	s31 =	simm.s32 $0x1;
	v1 =	vadd.s32 s30, v0  }
0xf1: {  	s24 =	simm.s32 $0x2;
	v2 =	vadd.s32 s31, v0  }
0xf2: {  	s25 =	simm.s32 $0x3;
	v3 =	vadd.s32 s24, v0  }
0xf3: {  	s26 =	simm.s32 $0x4;
	v4 =	vadd.s32 s25, v0  }
0xf4: {  	s28 =	simm.s32 $0x5;
	v5 =	vadd.s32 s26, v0  }
0xf5: {  	s29 =	simm.s32 $0x6;
	v6 =	vadd.s32 s28, v0;
	v1 =	vld.idx.msk [tilespmem:v1+s3+$0x0], $0xffff  }
0xf6: {  	v7 =	vadd.s32 s29, v0;
	s31 =	simm.s32 $0xF;
	v2 =	vld.idx.msk [tilespmem:v2+s3+$0x0], $0xffff  }
0xf7: {  	s30 =	simm.s32 $0x0;
	v11 =	vadd.s32 s31, v0;
	v9 =	vld.idx.msk [tilespmem:v3+s3+$0x0], $0xffff  }
0xf8: {  	s26 =	simm.s32 $0xA;
	v8 =	vadd.s32 s30, v0;
	v12 =	vld.idx.msk [tilespmem:v4+s3+$0x0], $0xffff  }
0xf9: {  	s25 =	simm.s32 $0x9;
	v15 =	vadd.s32 s26, v0;
	v14 =	vld.idx.msk [tilespmem:v5+s3+$0x0], $0xffff  }
0xfa: {  	s23 =	simm.s32 $0x16440;
	s28 =	simm.s32 $0xB;
	v13 =	vadd.s32 s25, v0;
	v5 =	vld.idx.msk [tilespmem:v6+s3+$0x0], $0xffff  }
0xfb: {  	s29 =	simm.s32 $0xC;
	v10 =	vadd.s32 s28, v0;
	v4 =	vld.idx.msk [tilespmem:v7+s3+$0x0], $0xffff;
	[tilespmem:s23+$0x180] =	vst v1  }
0xfc: {  	s30 =	simm.s32 $0xD;
	[tilespmem:s23+$0xFFFFFE80] =	vst v2;
	v1 =	vld.idx.msk [tilespmem:v11+s3+$0x0], $0xffff;
	v11 =	vadd.s32 s29, v0  }
0xfd: {  	s31 =	simm.s32 $0xE;
	v3 =	vld.idx.msk [tilespmem:v8+s3+$0x0], $0xffff;
	v8 =	vadd.s32 s30, v0;
	[tilespmem:s23+$0xFFFFFF00] =	vst v9  }
0xfe: {  	s28 =	simm.s32 $0x8;
	v6 =	vld.idx.msk [tilespmem:v15+s3+$0x0], $0xffff;
	[tilespmem:s23+$0xFFFFFF80] =	vst v12;
	v9 =	vadd.s32 s31, v0  }
0xff: {  	s24 =	simm.s32 $0x10;
	s26 =	simm.s32 $0x17;
	s25 =	simm.s32 $0x18;
	v7 =	vadd.s32 s28, v0;
	v2 =	vld.idx.msk [tilespmem:v13+s3+$0x0], $0xffff;
	[tilespmem:s23+$0x0] =	vst v14  }
.LBB2_13:
0x100: {  	p1 =	slt.u32 s25, $0x38;
	s28 =	sadd.s32 $0x1, s24;
	v12 =	vadd.s32 s26, v0;
	v13 =	vld.idx.msk [tilespmem:v10+s3+$0x0], $0xffff;
	[tilespmem:s23+$0x80] =	vst v5  }
0x101: {  	s26 =	sadd.s32 $0x2, s24;
	v14 =	vadd.s32 s28, v0;
	v15 =	vld.idx.msk [tilespmem:v11+s3+$0x0], $0xffff;
	[tilespmem:s23+$0x100] =	vst v4  }
0x102: {  	v16 =	vadd.s32 s26, v0;
	s26 =	sadd.s32 $0x3, s24;
	v5 =	vld.idx.msk [tilespmem:v8+s3+$0x0], $0xffff;
	[tilespmem:s23+$0xFFFFFE00] =	vst v3;
	s23 =	sadd.s32 $0x400, s23  }
.Ltmp5:
0x103: {  	v10 =	vadd.s32 s26, v0;
	s26 =	sadd.s32 $0x4, s24;
	v4 =	vld.idx.msk [tilespmem:v9+s3+$0x0], $0xffff;
	[tilespmem:s23+$0x180] =	vst v1;
	(pc) =	sbr.rel @p1 .LBB2_13-.Ltmp5, $4  }
0x104: {  	v11 =	vadd.s32 s26, v0;
	s26 =	sadd.s32 $0x5, s24;
	v3 =	vld.idx.msk [tilespmem:v7+s3+$0x0], $0xffff;
	[tilespmem:s23+$0xFFFFFE80] =	vst v2  }
0x105: {  	v8 =	vadd.s32 s26, v0;
	s26 =	sadd.s32 $0x6, s24;
	v1 =	vld.idx.msk [tilespmem:v12+s3+$0x0], $0xffff;
	[tilespmem:s23+$0xFFFFFF00] =	vst v6  }
0x106: {  	v9 =	vadd.s32 s26, v0;
	v2 =	vld.idx.msk [tilespmem:v14+s3+$0x0], $0xffff;
	[tilespmem:s23+$0xFFFFFF80] =	vst v13  }
0x107: {  	v7 =	vadd.s32 s24, v0;
	s24 =	smov.u32 s25;
	s26 =	sadd.s32 $0x7, s25;
	s25 =	sadd.s32 $0x8, s25;
	v6 =	vld.idx.msk [tilespmem:v16+s3+$0x0], $0xffff;
	[tilespmem:s23+$0x0] =	vst v15  }
0x108: {  	_ =	sdelay $0x2  }
0x109: {  	[tilespmem:s23+$0x80] =	vst v5  }
0x10a: {  	s25 =	sadd.s32 $0x1, s24;
	v5 =	vadd.s32 s26, v0;
	v10 =	vld.idx.msk [tilespmem:v10+s3+$0x0], $0xffff;
	[tilespmem:s23+$0x100] =	vst v4  }
0x10b: {  	s29 =	sadd.s32 $0x2, s24;
	v11 =	vld.idx.msk [tilespmem:v11+s3+$0x0], $0xffff;
	s30 =	sadd.s32 $0x400, s23;
	v4 =	vadd.s32 s25, v0;
	[tilespmem:s23+$0xFFFFFE00] =	vst v3  }
0x10c: {  	s31 =	sadd.s32 $0x3, s24;
	v8 =	vld.idx.msk [tilespmem:v8+s3+$0x0], $0xffff;
	v3 =	vadd.s32 s29, v0;
	[tilespmem:s30+$0x180] =	vst v1  }
0x10d: {  	s26 =	sadd.s32 $0x4, s24;
	v9 =	vld.idx.msk [tilespmem:v9+s3+$0x0], $0xffff;
	v1 =	vadd.s32 s31, v0;
	[tilespmem:s30+$0xFFFFFE80] =	vst v2  }
0x10e: {  	s28 =	sadd.s32 $0x5, s24;
	v7 =	vld.idx.msk [tilespmem:v7+s3+$0x0], $0xffff;
	v2 =	vadd.s32 s26, v0;
	[tilespmem:s30+$0xFFFFFF00] =	vst v6  }
0x10f: {  	s29 =	sadd.s32 $0x6, s24;
	v6 =	vadd.s32 s28, v0;
	v5 =	vld.idx.msk [tilespmem:v5+s3+$0x0], $0xffff;
	[tilespmem:s30+$0xFFFFFF80] =	vst v10  }
0x110: {  	v10 =	vadd.s32 s29, v0;
	[tilespmem:s30+$0x0] =	vst v11;
	v4 =	vld.idx.msk [tilespmem:v4+s3+$0x0], $0xffff  }
0x111: {  	v0 =	vadd.s32 s24, v0;
	[tilespmem:s30+$0x80] =	vst v8;
	v3 =	vld.idx.msk [tilespmem:v3+s3+$0x0], $0xffff  }
0x112: {  	[tilespmem:s30+$0x100] =	vst v9;
	v1 =	vld.idx.msk [tilespmem:v1+s3+$0x0], $0xffff  }
0x113: {  	s23 =	sadd.s32 $0x400, s30;
	[tilespmem:s30+$0xFFFFFE00] =	vst v7;
	v2 =	vld.idx.msk [tilespmem:v2+s3+$0x0], $0xffff  }
0x114: {  	v6 =	vld.idx.msk [tilespmem:v6+s3+$0x0], $0xffff;
	[tilespmem:s23+$0x180] =	vst v5  }
0x115: {  	v5 =	vld.idx.msk [tilespmem:v10+s3+$0x0], $0xffff;
	[tilespmem:s23+$0xFFFFFE80] =	vst v4  }
0x116: {  	v0 =	vld.idx.msk [tilespmem:v0+s3+$0x0], $0xffff;
	[tilespmem:s23+$0xFFFFFF00] =	vst v3  }
0x117: {  	[tilespmem:s23+$0xFFFFFF80] =	vst v1  }
0x118: {  	[tilespmem:s23+$0x0] =	vst v2  }
0x119: {  	[tilespmem:s23+$0x80] =	vst v6  }
0x11a: {  	[tilespmem:s23+$0x100] =	vst v5  }
0x11b: {  	[tilespmem:s23+$0xFFFFFE00] =	vst v0  }
0x11c: {  	v0 =	vld [tilespmem:s22+$0xFE50];
	_ =	sdelay $0x4  }
0x11d: {  	v0 =	vmul.u32 $0x41, v0  }
0x11e: {  	s30 =	simm.s32 $0x7  }
0x11f: {  	s31 =	simm.s32 $0x1;
	v1 =	vadd.s32 s30, v0  }
0x120: {  	s24 =	simm.s32 $0x2;
	v2 =	vadd.s32 s31, v0  }
0x121: {  	s25 =	simm.s32 $0x3;
	v3 =	vadd.s32 s24, v0  }
0x122: {  	s26 =	simm.s32 $0x4;
	v4 =	vadd.s32 s25, v0  }
0x123: {  	s28 =	simm.s32 $0x5;
	v5 =	vadd.s32 s26, v0  }
0x124: {  	s29 =	simm.s32 $0x6;
	v6 =	vadd.s32 s28, v0;
	v1 =	vld.idx.msk [tilespmem:v1+s3+$0x0], $0xffff  }
0x125: {  	v7 =	vadd.s32 s29, v0;
	s31 =	simm.s32 $0xF;
	v2 =	vld.idx.msk [tilespmem:v2+s3+$0x0], $0xffff  }
0x126: {  	s30 =	simm.s32 $0x0;
	v11 =	vadd.s32 s31, v0;
	v9 =	vld.idx.msk [tilespmem:v3+s3+$0x0], $0xffff  }
0x127: {  	s26 =	simm.s32 $0xA;
	v8 =	vadd.s32 s30, v0;
	v12 =	vld.idx.msk [tilespmem:v4+s3+$0x0], $0xffff  }
0x128: {  	s25 =	simm.s32 $0x9;
	v15 =	vadd.s32 s26, v0;
	v14 =	vld.idx.msk [tilespmem:v5+s3+$0x0], $0xffff  }
0x129: {  	s23 =	simm.s32 $0x16450;
	s28 =	simm.s32 $0xB;
	v13 =	vadd.s32 s25, v0;
	v5 =	vld.idx.msk [tilespmem:v6+s3+$0x0], $0xffff  }
0x12a: {  	s29 =	simm.s32 $0xC;
	v10 =	vadd.s32 s28, v0;
	v4 =	vld.idx.msk [tilespmem:v7+s3+$0x0], $0xffff;
	[tilespmem:s23+$0x180] =	vst v1  }
0x12b: {  	s30 =	simm.s32 $0xD;
	[tilespmem:s23+$0xFFFFFE80] =	vst v2;
	v1 =	vld.idx.msk [tilespmem:v11+s3+$0x0], $0xffff;
	v11 =	vadd.s32 s29, v0  }
0x12c: {  	s31 =	simm.s32 $0xE;
	v3 =	vld.idx.msk [tilespmem:v8+s3+$0x0], $0xffff;
	v8 =	vadd.s32 s30, v0;
	[tilespmem:s23+$0xFFFFFF00] =	vst v9  }
0x12d: {  	s28 =	simm.s32 $0x8;
	v6 =	vld.idx.msk [tilespmem:v15+s3+$0x0], $0xffff;
	[tilespmem:s23+$0xFFFFFF80] =	vst v12;
	v9 =	vadd.s32 s31, v0  }
0x12e: {  	s24 =	simm.s32 $0x10;
	s26 =	simm.s32 $0x17;
	s25 =	simm.s32 $0x18;
	v7 =	vadd.s32 s28, v0;
	v2 =	vld.idx.msk [tilespmem:v13+s3+$0x0], $0xffff;
	[tilespmem:s23+$0x0] =	vst v14  }
.LBB2_15:
0x12f: {  	p1 =	slt.u32 s25, $0x38;
	s28 =	sadd.s32 $0x1, s24;
	v12 =	vadd.s32 s26, v0;
	v13 =	vld.idx.msk [tilespmem:v10+s3+$0x0], $0xffff;
	[tilespmem:s23+$0x80] =	vst v5  }
0x130: {  	s26 =	sadd.s32 $0x2, s24;
	v14 =	vadd.s32 s28, v0;
	v15 =	vld.idx.msk [tilespmem:v11+s3+$0x0], $0xffff;
	[tilespmem:s23+$0x100] =	vst v4  }
0x131: {  	v16 =	vadd.s32 s26, v0;
	s26 =	sadd.s32 $0x3, s24;
	v5 =	vld.idx.msk [tilespmem:v8+s3+$0x0], $0xffff;
	[tilespmem:s23+$0xFFFFFE00] =	vst v3;
	s23 =	sadd.s32 $0x400, s23  }
.Ltmp6:
0x132: {  	v10 =	vadd.s32 s26, v0;
	s26 =	sadd.s32 $0x4, s24;
	v4 =	vld.idx.msk [tilespmem:v9+s3+$0x0], $0xffff;
	[tilespmem:s23+$0x180] =	vst v1;
	(pc) =	sbr.rel @p1 .LBB2_15-.Ltmp6, $4  }
0x133: {  	v11 =	vadd.s32 s26, v0;
	s26 =	sadd.s32 $0x5, s24;
	v3 =	vld.idx.msk [tilespmem:v7+s3+$0x0], $0xffff;
	[tilespmem:s23+$0xFFFFFE80] =	vst v2  }
0x134: {  	v8 =	vadd.s32 s26, v0;
	s26 =	sadd.s32 $0x6, s24;
	v1 =	vld.idx.msk [tilespmem:v12+s3+$0x0], $0xffff;
	[tilespmem:s23+$0xFFFFFF00] =	vst v6  }
0x135: {  	v9 =	vadd.s32 s26, v0;
	v2 =	vld.idx.msk [tilespmem:v14+s3+$0x0], $0xffff;
	[tilespmem:s23+$0xFFFFFF80] =	vst v13  }
0x136: {  	v7 =	vadd.s32 s24, v0;
	s24 =	smov.u32 s25;
	s26 =	sadd.s32 $0x7, s25;
	s25 =	sadd.s32 $0x8, s25;
	v6 =	vld.idx.msk [tilespmem:v16+s3+$0x0], $0xffff;
	[tilespmem:s23+$0x0] =	vst v15  }
0x137: {  	_ =	sdelay $0x2  }
0x138: {  	[tilespmem:s23+$0x80] =	vst v5  }
0x139: {  	s25 =	sadd.s32 $0x1, s24;
	v5 =	vadd.s32 s26, v0;
	v10 =	vld.idx.msk [tilespmem:v10+s3+$0x0], $0xffff;
	[tilespmem:s23+$0x100] =	vst v4  }
0x13a: {  	s29 =	sadd.s32 $0x2, s24;
	v11 =	vld.idx.msk [tilespmem:v11+s3+$0x0], $0xffff;
	s30 =	sadd.s32 $0x400, s23;
	v4 =	vadd.s32 s25, v0;
	[tilespmem:s23+$0xFFFFFE00] =	vst v3  }
0x13b: {  	s31 =	sadd.s32 $0x3, s24;
	v8 =	vld.idx.msk [tilespmem:v8+s3+$0x0], $0xffff;
	v3 =	vadd.s32 s29, v0;
	[tilespmem:s30+$0x180] =	vst v1  }
0x13c: {  	s26 =	sadd.s32 $0x4, s24;
	v9 =	vld.idx.msk [tilespmem:v9+s3+$0x0], $0xffff;
	v1 =	vadd.s32 s31, v0;
	[tilespmem:s30+$0xFFFFFE80] =	vst v2  }
0x13d: {  	s28 =	sadd.s32 $0x5, s24;
	v7 =	vld.idx.msk [tilespmem:v7+s3+$0x0], $0xffff;
	v2 =	vadd.s32 s26, v0;
	[tilespmem:s30+$0xFFFFFF00] =	vst v6  }
0x13e: {  	s29 =	sadd.s32 $0x6, s24;
	v6 =	vadd.s32 s28, v0;
	v5 =	vld.idx.msk [tilespmem:v5+s3+$0x0], $0xffff;
	[tilespmem:s30+$0xFFFFFF80] =	vst v10  }
0x13f: {  	v10 =	vadd.s32 s29, v0;
	[tilespmem:s30+$0x0] =	vst v11;
	v4 =	vld.idx.msk [tilespmem:v4+s3+$0x0], $0xffff  }
0x140: {  	v0 =	vadd.s32 s24, v0;
	[tilespmem:s30+$0x80] =	vst v8;
	v3 =	vld.idx.msk [tilespmem:v3+s3+$0x0], $0xffff  }
0x141: {  	[tilespmem:s30+$0x100] =	vst v9;
	v1 =	vld.idx.msk [tilespmem:v1+s3+$0x0], $0xffff  }
0x142: {  	s23 =	sadd.s32 $0x400, s30;
	[tilespmem:s30+$0xFFFFFE00] =	vst v7;
	v2 =	vld.idx.msk [tilespmem:v2+s3+$0x0], $0xffff  }
0x143: {  	v6 =	vld.idx.msk [tilespmem:v6+s3+$0x0], $0xffff;
	[tilespmem:s23+$0x180] =	vst v5  }
0x144: {  	v5 =	vld.idx.msk [tilespmem:v10+s3+$0x0], $0xffff;
	[tilespmem:s23+$0xFFFFFE80] =	vst v4  }
0x145: {  	v0 =	vld.idx.msk [tilespmem:v0+s3+$0x0], $0xffff;
	[tilespmem:s23+$0xFFFFFF00] =	vst v3  }
0x146: {  	[tilespmem:s23+$0xFFFFFF80] =	vst v1  }
0x147: {  	[tilespmem:s23+$0x0] =	vst v2  }
0x148: {  	[tilespmem:s23+$0x80] =	vst v6  }
0x149: {  	[tilespmem:s23+$0x100] =	vst v5  }
0x14a: {  	[tilespmem:s23+$0xFFFFFE00] =	vst v0  }
0x14b: {  	v0 =	vld [tilespmem:s22+$0xFE60];
	_ =	sdelay $0x4  }
0x14c: {  	v0 =	vmul.u32 $0x41, v0  }
0x14d: {  	s30 =	simm.s32 $0x7  }
0x14e: {  	s31 =	simm.s32 $0x1;
	v1 =	vadd.s32 s30, v0  }
0x14f: {  	s24 =	simm.s32 $0x2;
	v2 =	vadd.s32 s31, v0  }
0x150: {  	s25 =	simm.s32 $0x3;
	v3 =	vadd.s32 s24, v0  }
0x151: {  	s26 =	simm.s32 $0x4;
	v4 =	vadd.s32 s25, v0  }
0x152: {  	s28 =	simm.s32 $0x5;
	v5 =	vadd.s32 s26, v0  }
0x153: {  	s29 =	simm.s32 $0x6;
	v6 =	vadd.s32 s28, v0;
	v1 =	vld.idx.msk [tilespmem:v1+s3+$0x0], $0xffff  }
0x154: {  	v7 =	vadd.s32 s29, v0;
	s31 =	simm.s32 $0xF;
	v2 =	vld.idx.msk [tilespmem:v2+s3+$0x0], $0xffff  }
0x155: {  	s30 =	simm.s32 $0x0;
	v11 =	vadd.s32 s31, v0;
	v9 =	vld.idx.msk [tilespmem:v3+s3+$0x0], $0xffff  }
0x156: {  	s26 =	simm.s32 $0xA;
	v8 =	vadd.s32 s30, v0;
	v12 =	vld.idx.msk [tilespmem:v4+s3+$0x0], $0xffff  }
0x157: {  	s25 =	simm.s32 $0x9;
	v15 =	vadd.s32 s26, v0;
	v14 =	vld.idx.msk [tilespmem:v5+s3+$0x0], $0xffff  }
0x158: {  	s23 =	simm.s32 $0x16460;
	s28 =	simm.s32 $0xB;
	v13 =	vadd.s32 s25, v0;
	v5 =	vld.idx.msk [tilespmem:v6+s3+$0x0], $0xffff  }
0x159: {  	s29 =	simm.s32 $0xC;
	v10 =	vadd.s32 s28, v0;
	v4 =	vld.idx.msk [tilespmem:v7+s3+$0x0], $0xffff;
	[tilespmem:s23+$0x180] =	vst v1  }
0x15a: {  	s30 =	simm.s32 $0xD;
	[tilespmem:s23+$0xFFFFFE80] =	vst v2;
	v1 =	vld.idx.msk [tilespmem:v11+s3+$0x0], $0xffff;
	v11 =	vadd.s32 s29, v0  }
0x15b: {  	s31 =	simm.s32 $0xE;
	v3 =	vld.idx.msk [tilespmem:v8+s3+$0x0], $0xffff;
	v8 =	vadd.s32 s30, v0;
	[tilespmem:s23+$0xFFFFFF00] =	vst v9  }
0x15c: {  	s28 =	simm.s32 $0x8;
	v6 =	vld.idx.msk [tilespmem:v15+s3+$0x0], $0xffff;
	[tilespmem:s23+$0xFFFFFF80] =	vst v12;
	v9 =	vadd.s32 s31, v0  }
0x15d: {  	s24 =	simm.s32 $0x10;
	s26 =	simm.s32 $0x17;
	s25 =	simm.s32 $0x18;
	v7 =	vadd.s32 s28, v0;
	v2 =	vld.idx.msk [tilespmem:v13+s3+$0x0], $0xffff;
	[tilespmem:s23+$0x0] =	vst v14  }
.LBB2_17:
0x15e: {  	p1 =	slt.u32 s25, $0x38;
	s28 =	sadd.s32 $0x1, s24;
	v12 =	vadd.s32 s26, v0;
	v13 =	vld.idx.msk [tilespmem:v10+s3+$0x0], $0xffff;
	[tilespmem:s23+$0x80] =	vst v5  }
0x15f: {  	s26 =	sadd.s32 $0x2, s24;
	v14 =	vadd.s32 s28, v0;
	v15 =	vld.idx.msk [tilespmem:v11+s3+$0x0], $0xffff;
	[tilespmem:s23+$0x100] =	vst v4  }
0x160: {  	v16 =	vadd.s32 s26, v0;
	s26 =	sadd.s32 $0x3, s24;
	v5 =	vld.idx.msk [tilespmem:v8+s3+$0x0], $0xffff;
	[tilespmem:s23+$0xFFFFFE00] =	vst v3;
	s23 =	sadd.s32 $0x400, s23  }
.Ltmp7:
0x161: {  	v10 =	vadd.s32 s26, v0;
	s26 =	sadd.s32 $0x4, s24;
	v4 =	vld.idx.msk [tilespmem:v9+s3+$0x0], $0xffff;
	[tilespmem:s23+$0x180] =	vst v1;
	(pc) =	sbr.rel @p1 .LBB2_17-.Ltmp7, $4  }
0x162: {  	v11 =	vadd.s32 s26, v0;
	s26 =	sadd.s32 $0x5, s24;
	v3 =	vld.idx.msk [tilespmem:v7+s3+$0x0], $0xffff;
	[tilespmem:s23+$0xFFFFFE80] =	vst v2  }
0x163: {  	v8 =	vadd.s32 s26, v0;
	s26 =	sadd.s32 $0x6, s24;
	v1 =	vld.idx.msk [tilespmem:v12+s3+$0x0], $0xffff;
	[tilespmem:s23+$0xFFFFFF00] =	vst v6  }
0x164: {  	v9 =	vadd.s32 s26, v0;
	v2 =	vld.idx.msk [tilespmem:v14+s3+$0x0], $0xffff;
	[tilespmem:s23+$0xFFFFFF80] =	vst v13  }
0x165: {  	v7 =	vadd.s32 s24, v0;
	s24 =	smov.u32 s25;
	s26 =	sadd.s32 $0x7, s25;
	s25 =	sadd.s32 $0x8, s25;
	v6 =	vld.idx.msk [tilespmem:v16+s3+$0x0], $0xffff;
	[tilespmem:s23+$0x0] =	vst v15  }
0x166: {  	_ =	sdelay $0x2  }
0x167: {  	[tilespmem:s23+$0x80] =	vst v5  }
0x168: {  	s25 =	sadd.s32 $0x1, s24;
	v5 =	vadd.s32 s26, v0;
	v10 =	vld.idx.msk [tilespmem:v10+s3+$0x0], $0xffff;
	[tilespmem:s23+$0x100] =	vst v4  }
0x169: {  	s29 =	sadd.s32 $0x2, s24;
	v11 =	vld.idx.msk [tilespmem:v11+s3+$0x0], $0xffff;
	s30 =	sadd.s32 $0x400, s23;
	v4 =	vadd.s32 s25, v0;
	[tilespmem:s23+$0xFFFFFE00] =	vst v3  }
0x16a: {  	s31 =	sadd.s32 $0x3, s24;
	v8 =	vld.idx.msk [tilespmem:v8+s3+$0x0], $0xffff;
	v3 =	vadd.s32 s29, v0;
	[tilespmem:s30+$0x180] =	vst v1  }
0x16b: {  	s26 =	sadd.s32 $0x4, s24;
	v9 =	vld.idx.msk [tilespmem:v9+s3+$0x0], $0xffff;
	v1 =	vadd.s32 s31, v0;
	[tilespmem:s30+$0xFFFFFE80] =	vst v2  }
0x16c: {  	s28 =	sadd.s32 $0x5, s24;
	v7 =	vld.idx.msk [tilespmem:v7+s3+$0x0], $0xffff;
	v2 =	vadd.s32 s26, v0;
	[tilespmem:s30+$0xFFFFFF00] =	vst v6  }
0x16d: {  	s29 =	sadd.s32 $0x6, s24;
	v6 =	vadd.s32 s28, v0;
	v5 =	vld.idx.msk [tilespmem:v5+s3+$0x0], $0xffff;
	[tilespmem:s30+$0xFFFFFF80] =	vst v10  }
0x16e: {  	v10 =	vadd.s32 s29, v0;
	[tilespmem:s30+$0x0] =	vst v11;
	v4 =	vld.idx.msk [tilespmem:v4+s3+$0x0], $0xffff  }
0x16f: {  	v0 =	vadd.s32 s24, v0;
	[tilespmem:s30+$0x80] =	vst v8;
	v3 =	vld.idx.msk [tilespmem:v3+s3+$0x0], $0xffff  }
0x170: {  	[tilespmem:s30+$0x100] =	vst v9;
	v1 =	vld.idx.msk [tilespmem:v1+s3+$0x0], $0xffff  }
0x171: {  	s23 =	sadd.s32 $0x400, s30;
	[tilespmem:s30+$0xFFFFFE00] =	vst v7;
	v2 =	vld.idx.msk [tilespmem:v2+s3+$0x0], $0xffff  }
0x172: {  	v6 =	vld.idx.msk [tilespmem:v6+s3+$0x0], $0xffff;
	[tilespmem:s23+$0x180] =	vst v5  }
0x173: {  	v5 =	vld.idx.msk [tilespmem:v10+s3+$0x0], $0xffff;
	[tilespmem:s23+$0xFFFFFE80] =	vst v4  }
0x174: {  	v0 =	vld.idx.msk [tilespmem:v0+s3+$0x0], $0xffff;
	[tilespmem:s23+$0xFFFFFF00] =	vst v3  }
0x175: {  	[tilespmem:s23+$0xFFFFFF80] =	vst v1  }
0x176: {  	[tilespmem:s23+$0x0] =	vst v2  }
0x177: {  	[tilespmem:s23+$0x80] =	vst v6  }
0x178: {  	[tilespmem:s23+$0x100] =	vst v5  }
0x179: {  	[tilespmem:s23+$0xFFFFFE00] =	vst v0  }
0x17a: {  	v0 =	vld [tilespmem:s22+$0xFE70];
	_ =	sdelay $0x4  }
0x17b: {  	v0 =	vmul.u32 $0x41, v0  }
0x17c: {  	s30 =	simm.s32 $0x7  }
0x17d: {  	s31 =	simm.s32 $0x1;
	v1 =	vadd.s32 s30, v0  }
0x17e: {  	s24 =	simm.s32 $0x2;
	v2 =	vadd.s32 s31, v0  }
0x17f: {  	s25 =	simm.s32 $0x3;
	v3 =	vadd.s32 s24, v0  }
0x180: {  	s26 =	simm.s32 $0x4;
	v4 =	vadd.s32 s25, v0  }
0x181: {  	s28 =	simm.s32 $0x5;
	v5 =	vadd.s32 s26, v0  }
0x182: {  	s29 =	simm.s32 $0x6;
	v6 =	vadd.s32 s28, v0;
	v1 =	vld.idx.msk [tilespmem:v1+s3+$0x0], $0xffff  }
0x183: {  	v7 =	vadd.s32 s29, v0;
	s31 =	simm.s32 $0xF;
	v2 =	vld.idx.msk [tilespmem:v2+s3+$0x0], $0xffff  }
0x184: {  	s30 =	simm.s32 $0x0;
	v11 =	vadd.s32 s31, v0;
	v9 =	vld.idx.msk [tilespmem:v3+s3+$0x0], $0xffff  }
0x185: {  	s25 =	simm.s32 $0xA;
	v8 =	vadd.s32 s30, v0;
	v12 =	vld.idx.msk [tilespmem:v4+s3+$0x0], $0xffff  }
0x186: {  	s24 =	simm.s32 $0x9;
	v15 =	vadd.s32 s25, v0;
	v14 =	vld.idx.msk [tilespmem:v5+s3+$0x0], $0xffff  }
0x187: {  	s22 =	simm.s32 $0x16470;
	s26 =	simm.s32 $0xB;
	v13 =	vadd.s32 s24, v0;
	v5 =	vld.idx.msk [tilespmem:v6+s3+$0x0], $0xffff  }
0x188: {  	s28 =	simm.s32 $0xC;
	v10 =	vadd.s32 s26, v0;
	v4 =	vld.idx.msk [tilespmem:v7+s3+$0x0], $0xffff;
	[tilespmem:s22+$0x180] =	vst v1  }
0x189: {  	s29 =	simm.s32 $0xD;
	[tilespmem:s22+$0xFFFFFE80] =	vst v2;
	v1 =	vld.idx.msk [tilespmem:v11+s3+$0x0], $0xffff;
	v11 =	vadd.s32 s28, v0  }
0x18a: {  	s31 =	simm.s32 $0xE;
	v3 =	vld.idx.msk [tilespmem:v8+s3+$0x0], $0xffff;
	v8 =	vadd.s32 s29, v0;
	[tilespmem:s22+$0xFFFFFF00] =	vst v9  }
0x18b: {  	s30 =	simm.s32 $0x8;
	v6 =	vld.idx.msk [tilespmem:v15+s3+$0x0], $0xffff;
	[tilespmem:s22+$0xFFFFFF80] =	vst v12;
	v9 =	vadd.s32 s31, v0  }
0x18c: {  	s23 =	simm.s32 $0x10;
	s25 =	simm.s32 $0x17;
	s24 =	simm.s32 $0x18;
	v7 =	vadd.s32 s30, v0;
	v2 =	vld.idx.msk [tilespmem:v13+s3+$0x0], $0xffff;
	[tilespmem:s22+$0x0] =	vst v14  }
.LBB2_19:
0x18d: {  	p1 =	slt.u32 s24, $0x38;
	s26 =	sadd.s32 $0x1, s23;
	v12 =	vadd.s32 s25, v0;
	v13 =	vld.idx.msk [tilespmem:v10+s3+$0x0], $0xffff;
	[tilespmem:s22+$0x80] =	vst v5  }
0x18e: {  	s25 =	sadd.s32 $0x2, s23;
	v14 =	vadd.s32 s26, v0;
	v15 =	vld.idx.msk [tilespmem:v11+s3+$0x0], $0xffff;
	[tilespmem:s22+$0x100] =	vst v4  }
0x18f: {  	v16 =	vadd.s32 s25, v0;
	s25 =	sadd.s32 $0x3, s23;
	v5 =	vld.idx.msk [tilespmem:v8+s3+$0x0], $0xffff;
	[tilespmem:s22+$0xFFFFFE00] =	vst v3;
	s22 =	sadd.s32 $0x400, s22  }
.Ltmp8:
0x190: {  	v10 =	vadd.s32 s25, v0;
	s25 =	sadd.s32 $0x4, s23;
	v4 =	vld.idx.msk [tilespmem:v9+s3+$0x0], $0xffff;
	[tilespmem:s22+$0x180] =	vst v1;
	(pc) =	sbr.rel @p1 .LBB2_19-.Ltmp8, $4  }
0x191: {  	v11 =	vadd.s32 s25, v0;
	s25 =	sadd.s32 $0x5, s23;
	v3 =	vld.idx.msk [tilespmem:v7+s3+$0x0], $0xffff;
	[tilespmem:s22+$0xFFFFFE80] =	vst v2  }
0x192: {  	v8 =	vadd.s32 s25, v0;
	s25 =	sadd.s32 $0x6, s23;
	v1 =	vld.idx.msk [tilespmem:v12+s3+$0x0], $0xffff;
	[tilespmem:s22+$0xFFFFFF00] =	vst v6  }
0x193: {  	v9 =	vadd.s32 s25, v0;
	v2 =	vld.idx.msk [tilespmem:v14+s3+$0x0], $0xffff;
	[tilespmem:s22+$0xFFFFFF80] =	vst v13  }
0x194: {  	v7 =	vadd.s32 s23, v0;
	s23 =	smov.u32 s24;
	s25 =	sadd.s32 $0x7, s24;
	s24 =	sadd.s32 $0x8, s24;
	v6 =	vld.idx.msk [tilespmem:v16+s3+$0x0], $0xffff;
	[tilespmem:s22+$0x0] =	vst v15  }
0x195: {  	_ =	sdelay $0x2  }
0x196: {  	[tilespmem:s22+$0x80] =	vst v5  }
0x197: {  	s24 =	sadd.s32 $0x1, s23;
	v5 =	vadd.s32 s25, v0;
	v10 =	vld.idx.msk [tilespmem:v10+s3+$0x0], $0xffff;
	[tilespmem:s22+$0x100] =	vst v4  }
0x198: {  	s26 =	sadd.s32 $0x2, s23;
	v11 =	vld.idx.msk [tilespmem:v11+s3+$0x0], $0xffff;
	s28 =	sadd.s32 $0x400, s22;
	v4 =	vadd.s32 s24, v0;
	[tilespmem:s22+$0xFFFFFE00] =	vst v3  }
0x199: {  	s29 =	sadd.s32 $0x3, s23;
	v8 =	vld.idx.msk [tilespmem:v8+s3+$0x0], $0xffff;
	v3 =	vadd.s32 s26, v0;
	[tilespmem:s28+$0x180] =	vst v1  }
0x19a: {  	s30 =	sadd.s32 $0x4, s23;
	v9 =	vld.idx.msk [tilespmem:v9+s3+$0x0], $0xffff;
	v1 =	vadd.s32 s29, v0;
	[tilespmem:s28+$0xFFFFFE80] =	vst v2  }
0x19b: {  	s31 =	sadd.s32 $0x5, s23;
	v7 =	vld.idx.msk [tilespmem:v7+s3+$0x0], $0xffff;
	v2 =	vadd.s32 s30, v0;
	[tilespmem:s28+$0xFFFFFF00] =	vst v6  }
0x19c: {  	s25 =	sadd.s32 $0x6, s23;
	v6 =	vadd.s32 s31, v0;
	v5 =	vld.idx.msk [tilespmem:v5+s3+$0x0], $0xffff;
	[tilespmem:s28+$0xFFFFFF80] =	vst v10  }
0x19d: {  	v10 =	vadd.s32 s25, v0;
	[tilespmem:s28+$0x0] =	vst v11;
	v4 =	vld.idx.msk [tilespmem:v4+s3+$0x0], $0xffff  }
0x19e: {  	v0 =	vadd.s32 s23, v0;
	[tilespmem:s28+$0x80] =	vst v8;
	v3 =	vld.idx.msk [tilespmem:v3+s3+$0x0], $0xffff  }
0x19f: {  	[tilespmem:s28+$0x100] =	vst v9;
	v1 =	vld.idx.msk [tilespmem:v1+s3+$0x0], $0xffff  }
0x1a0: {  	s22 =	sadd.s32 $0x400, s28;
	[tilespmem:s28+$0xFFFFFE00] =	vst v7;
	v2 =	vld.idx.msk [tilespmem:v2+s3+$0x0], $0xffff  }
0x1a1: {  	v6 =	vld.idx.msk [tilespmem:v6+s3+$0x0], $0xffff;
	[tilespmem:s22+$0x180] =	vst v5  }
0x1a2: {  	v5 =	vld.idx.msk [tilespmem:v10+s3+$0x0], $0xffff;
	[tilespmem:s22+$0xFFFFFE80] =	vst v4  }
0x1a3: {  	v0 =	vld.idx.msk [tilespmem:v0+s3+$0x0], $0xffff;
	[tilespmem:s22+$0xFFFFFF00] =	vst v3  }
0x1a4: {  	[tilespmem:s22+$0xFFFFFF80] =	vst v1  }
0x1a5: {  	s26 =	sshll.u32 s20, $0x13;
	[tilespmem:s22+$0x0] =	vst v2  }
0x1a6: {  	s23 =	sor.u32 s6, s26;
	[tilespmem:s22+$0x80] =	vst v6  }
0x1a7: {  	s23 =	sshrl.u32 s23, $0x3;
	[tilespmem:s22+$0x100] =	vst v5  }
0x1a8: {  	s28 =	sadd.s32 s2, s23;
	[tilespmem:s22+$0xFFFFFE00] =	vst v0;
	s22 =	simm.s32 @!p0 $0x2  }
0x1a9: {  	[hbm4b:s28+s12] =	stream.strided.scatter [tilespmem:s14], [sflag:$0x1], $0x2000, s13, s12, $0x38;
	[tilespmem:$0x1A200] =	vst v63  }
0x1aa: {  	s21 =	sor.u32 $0x1, s21;
	_ =	swait.ge @!p0 [sflag:s22], $0x2000  }
0x1ab: {  	s29 =	sshll.u32 s21, $0x7;
	[sflag:s22] =	ssyncset.done @!p0 $0x0  }
0x1ac: {  	[sflag:s22] =	ssyncadd.s32 @!p0 $0xFFFFE000;
	s22 =	sand.u32 $0x3FFFFF80, s29  }
0x1ad: {  	v0 =	vld [tilespmem:s22+$0xFE00];
	_ =	sdelay $0x4  }
0x1ae: {  	v0 =	vmul.u32 $0x41, v0  }
0x1af: {  	s30 =	simm.s32 $0x7  }
0x1b0: {  	s31 =	simm.s32 $0x1;
	v1 =	vadd.s32 s30, v0  }
0x1b1: {  	s24 =	simm.s32 $0x2;
	v2 =	vadd.s32 s31, v0  }
0x1b2: {  	s25 =	simm.s32 $0x3;
	v3 =	vadd.s32 s24, v0  }
0x1b3: {  	s26 =	simm.s32 $0x4;
	v4 =	vadd.s32 s25, v0  }
0x1b4: {  	s28 =	simm.s32 $0x5;
	v5 =	vadd.s32 s26, v0  }
0x1b5: {  	s29 =	simm.s32 $0x6;
	v6 =	vadd.s32 s28, v0;
	v1 =	vld.idx.msk [tilespmem:v1+s3+$0x0], $0xffff  }
0x1b6: {  	v7 =	vadd.s32 s29, v0;
	s31 =	simm.s32 $0xF;
	v2 =	vld.idx.msk [tilespmem:v2+s3+$0x0], $0xffff  }
0x1b7: {  	s30 =	simm.s32 $0x0;
	v11 =	vadd.s32 s31, v0;
	v9 =	vld.idx.msk [tilespmem:v3+s3+$0x0], $0xffff  }
0x1b8: {  	s26 =	simm.s32 $0xA;
	v8 =	vadd.s32 s30, v0;
	v12 =	vld.idx.msk [tilespmem:v4+s3+$0x0], $0xffff  }
0x1b9: {  	s25 =	simm.s32 $0x9;
	v15 =	vadd.s32 s26, v0;
	v14 =	vld.idx.msk [tilespmem:v5+s3+$0x0], $0xffff  }
0x1ba: {  	s23 =	simm.s32 $0x18580;
	s28 =	simm.s32 $0xB;
	v13 =	vadd.s32 s25, v0;
	v5 =	vld.idx.msk [tilespmem:v6+s3+$0x0], $0xffff  }
0x1bb: {  	s29 =	simm.s32 $0xC;
	v10 =	vadd.s32 s28, v0;
	v4 =	vld.idx.msk [tilespmem:v7+s3+$0x0], $0xffff;
	[tilespmem:s23+$0x0] =	vst v1  }
0x1bc: {  	s30 =	simm.s32 $0xD;
	[tilespmem:s23+$0xFFFFFD00] =	vst v2;
	v1 =	vld.idx.msk [tilespmem:v11+s3+$0x0], $0xffff;
	v11 =	vadd.s32 s29, v0  }
0x1bd: {  	s31 =	simm.s32 $0xE;
	v3 =	vld.idx.msk [tilespmem:v8+s3+$0x0], $0xffff;
	v8 =	vadd.s32 s30, v0;
	[tilespmem:s23+$0xFFFFFD80] =	vst v9  }
0x1be: {  	s28 =	simm.s32 $0x8;
	v6 =	vld.idx.msk [tilespmem:v15+s3+$0x0], $0xffff;
	[tilespmem:s23+$0xFFFFFE00] =	vst v12;
	v9 =	vadd.s32 s31, v0  }
0x1bf: {  	s24 =	simm.s32 $0x10;
	s26 =	simm.s32 $0x17;
	s25 =	simm.s32 $0x18;
	v7 =	vadd.s32 s28, v0;
	v2 =	vld.idx.msk [tilespmem:v13+s3+$0x0], $0xffff;
	[tilespmem:s23+$0xFFFFFE80] =	vst v14  }
.LBB2_21:
0x1c0: {  	p0 =	slt.u32 s25, $0x38;
	s28 =	sadd.s32 $0x1, s24;
	v12 =	vadd.s32 s26, v0;
	v13 =	vld.idx.msk [tilespmem:v10+s3+$0x0], $0xffff;
	[tilespmem:s23+$0xFFFFFF00] =	vst v5  }
0x1c1: {  	s26 =	sadd.s32 $0x2, s24;
	v14 =	vadd.s32 s28, v0;
	v15 =	vld.idx.msk [tilespmem:v11+s3+$0x0], $0xffff;
	[tilespmem:s23+$0xFFFFFF80] =	vst v4  }
0x1c2: {  	v16 =	vadd.s32 s26, v0;
	s26 =	sadd.s32 $0x3, s24;
	v5 =	vld.idx.msk [tilespmem:v8+s3+$0x0], $0xffff;
	[tilespmem:s23+$0xFFFFFC80] =	vst v3;
	s23 =	sadd.s32 $0x400, s23  }
.Ltmp9:
0x1c3: {  	v10 =	vadd.s32 s26, v0;
	s26 =	sadd.s32 $0x4, s24;
	v4 =	vld.idx.msk [tilespmem:v9+s3+$0x0], $0xffff;
	[tilespmem:s23+$0x0] =	vst v1;
	(pc) =	sbr.rel @p0 .LBB2_21-.Ltmp9, $4  }
0x1c4: {  	v11 =	vadd.s32 s26, v0;
	s26 =	sadd.s32 $0x5, s24;
	v3 =	vld.idx.msk [tilespmem:v7+s3+$0x0], $0xffff;
	[tilespmem:s23+$0xFFFFFD00] =	vst v2  }
0x1c5: {  	v8 =	vadd.s32 s26, v0;
	s26 =	sadd.s32 $0x6, s24;
	v1 =	vld.idx.msk [tilespmem:v12+s3+$0x0], $0xffff;
	[tilespmem:s23+$0xFFFFFD80] =	vst v6  }
0x1c6: {  	v9 =	vadd.s32 s26, v0;
	v2 =	vld.idx.msk [tilespmem:v14+s3+$0x0], $0xffff;
	[tilespmem:s23+$0xFFFFFE00] =	vst v13  }
0x1c7: {  	v7 =	vadd.s32 s24, v0;
	s24 =	smov.u32 s25;
	s26 =	sadd.s32 $0x7, s25;
	s25 =	sadd.s32 $0x8, s25;
	v6 =	vld.idx.msk [tilespmem:v16+s3+$0x0], $0xffff;
	[tilespmem:s23+$0xFFFFFE80] =	vst v15  }
0x1c8: {  	_ =	sdelay $0x2  }
0x1c9: {  	[tilespmem:s23+$0xFFFFFF00] =	vst v5  }
0x1ca: {  	s25 =	sadd.s32 $0x1, s24;
	v5 =	vadd.s32 s26, v0;
	v10 =	vld.idx.msk [tilespmem:v10+s3+$0x0], $0xffff;
	[tilespmem:s23+$0xFFFFFF80] =	vst v4  }
0x1cb: {  	s29 =	sadd.s32 $0x2, s24;
	v11 =	vld.idx.msk [tilespmem:v11+s3+$0x0], $0xffff;
	s30 =	sadd.s32 $0x400, s23;
	v4 =	vadd.s32 s25, v0;
	[tilespmem:s23+$0xFFFFFC80] =	vst v3  }
0x1cc: {  	s31 =	sadd.s32 $0x3, s24;
	v8 =	vld.idx.msk [tilespmem:v8+s3+$0x0], $0xffff;
	v3 =	vadd.s32 s29, v0;
	[tilespmem:s30+$0x0] =	vst v1  }
0x1cd: {  	s26 =	sadd.s32 $0x4, s24;
	v9 =	vld.idx.msk [tilespmem:v9+s3+$0x0], $0xffff;
	v1 =	vadd.s32 s31, v0;
	[tilespmem:s30+$0xFFFFFD00] =	vst v2  }
0x1ce: {  	s28 =	sadd.s32 $0x5, s24;
	v7 =	vld.idx.msk [tilespmem:v7+s3+$0x0], $0xffff;
	v2 =	vadd.s32 s26, v0;
	[tilespmem:s30+$0xFFFFFD80] =	vst v6  }
0x1cf: {  	s29 =	sadd.s32 $0x6, s24;
	v6 =	vadd.s32 s28, v0;
	v5 =	vld.idx.msk [tilespmem:v5+s3+$0x0], $0xffff;
	[tilespmem:s30+$0xFFFFFE00] =	vst v10  }
0x1d0: {  	v10 =	vadd.s32 s29, v0;
	[tilespmem:s30+$0xFFFFFE80] =	vst v11;
	v4 =	vld.idx.msk [tilespmem:v4+s3+$0x0], $0xffff  }
0x1d1: {  	v0 =	vadd.s32 s24, v0;
	[tilespmem:s30+$0xFFFFFF00] =	vst v8;
	v3 =	vld.idx.msk [tilespmem:v3+s3+$0x0], $0xffff  }
0x1d2: {  	[tilespmem:s30+$0xFFFFFF80] =	vst v9;
	v1 =	vld.idx.msk [tilespmem:v1+s3+$0x0], $0xffff  }
0x1d3: {  	s23 =	sadd.s32 $0x400, s30;
	[tilespmem:s30+$0xFFFFFC80] =	vst v7;
	v2 =	vld.idx.msk [tilespmem:v2+s3+$0x0], $0xffff  }
0x1d4: {  	v6 =	vld.idx.msk [tilespmem:v6+s3+$0x0], $0xffff;
	[tilespmem:s23+$0x0] =	vst v5  }
0x1d5: {  	v5 =	vld.idx.msk [tilespmem:v10+s3+$0x0], $0xffff;
	[tilespmem:s23+$0xFFFFFD00] =	vst v4  }
0x1d6: {  	v0 =	vld.idx.msk [tilespmem:v0+s3+$0x0], $0xffff;
	[tilespmem:s23+$0xFFFFFD80] =	vst v3  }
0x1d7: {  	[tilespmem:s23+$0xFFFFFE00] =	vst v1  }
0x1d8: {  	[tilespmem:s23+$0xFFFFFE80] =	vst v2  }
0x1d9: {  	[tilespmem:s23+$0xFFFFFF00] =	vst v6  }
0x1da: {  	[tilespmem:s23+$0xFFFFFF80] =	vst v5  }
0x1db: {  	[tilespmem:s23+$0xFFFFFC80] =	vst v0  }
0x1dc: {  	v0 =	vld [tilespmem:s22+$0xFE10];
	_ =	sdelay $0x4  }
0x1dd: {  	v0 =	vmul.u32 $0x41, v0  }
0x1de: {  	s30 =	simm.s32 $0x7  }
0x1df: {  	s31 =	simm.s32 $0x1;
	v1 =	vadd.s32 s30, v0  }
0x1e0: {  	s24 =	simm.s32 $0x2;
	v2 =	vadd.s32 s31, v0  }
0x1e1: {  	s25 =	simm.s32 $0x3;
	v3 =	vadd.s32 s24, v0  }
0x1e2: {  	s26 =	simm.s32 $0x4;
	v4 =	vadd.s32 s25, v0  }
0x1e3: {  	s28 =	simm.s32 $0x5;
	v5 =	vadd.s32 s26, v0  }
0x1e4: {  	s29 =	simm.s32 $0x6;
	v6 =	vadd.s32 s28, v0;
	v1 =	vld.idx.msk [tilespmem:v1+s3+$0x0], $0xffff  }
0x1e5: {  	v7 =	vadd.s32 s29, v0;
	s31 =	simm.s32 $0xF;
	v2 =	vld.idx.msk [tilespmem:v2+s3+$0x0], $0xffff  }
0x1e6: {  	s30 =	simm.s32 $0x0;
	v11 =	vadd.s32 s31, v0;
	v9 =	vld.idx.msk [tilespmem:v3+s3+$0x0], $0xffff  }
0x1e7: {  	s26 =	simm.s32 $0xA;
	v8 =	vadd.s32 s30, v0;
	v12 =	vld.idx.msk [tilespmem:v4+s3+$0x0], $0xffff  }
0x1e8: {  	s25 =	simm.s32 $0x9;
	v15 =	vadd.s32 s26, v0;
	v14 =	vld.idx.msk [tilespmem:v5+s3+$0x0], $0xffff  }
0x1e9: {  	s23 =	simm.s32 $0x18590;
	s28 =	simm.s32 $0xB;
	v13 =	vadd.s32 s25, v0;
	v5 =	vld.idx.msk [tilespmem:v6+s3+$0x0], $0xffff  }
0x1ea: {  	s29 =	simm.s32 $0xC;
	v10 =	vadd.s32 s28, v0;
	v4 =	vld.idx.msk [tilespmem:v7+s3+$0x0], $0xffff;
	[tilespmem:s23+$0x0] =	vst v1  }
0x1eb: {  	s30 =	simm.s32 $0xD;
	[tilespmem:s23+$0xFFFFFD00] =	vst v2;
	v1 =	vld.idx.msk [tilespmem:v11+s3+$0x0], $0xffff;
	v11 =	vadd.s32 s29, v0  }
0x1ec: {  	s31 =	simm.s32 $0xE;
	v3 =	vld.idx.msk [tilespmem:v8+s3+$0x0], $0xffff;
	v8 =	vadd.s32 s30, v0;
	[tilespmem:s23+$0xFFFFFD80] =	vst v9  }
0x1ed: {  	s28 =	simm.s32 $0x8;
	v6 =	vld.idx.msk [tilespmem:v15+s3+$0x0], $0xffff;
	[tilespmem:s23+$0xFFFFFE00] =	vst v12;
	v9 =	vadd.s32 s31, v0  }
0x1ee: {  	s24 =	simm.s32 $0x10;
	s26 =	simm.s32 $0x17;
	s25 =	simm.s32 $0x18;
	v7 =	vadd.s32 s28, v0;
	v2 =	vld.idx.msk [tilespmem:v13+s3+$0x0], $0xffff;
	[tilespmem:s23+$0xFFFFFE80] =	vst v14  }
.LBB2_23:
0x1ef: {  	p0 =	slt.u32 s25, $0x38;
	s28 =	sadd.s32 $0x1, s24;
	v12 =	vadd.s32 s26, v0;
	v13 =	vld.idx.msk [tilespmem:v10+s3+$0x0], $0xffff;
	[tilespmem:s23+$0xFFFFFF00] =	vst v5  }
0x1f0: {  	s26 =	sadd.s32 $0x2, s24;
	v14 =	vadd.s32 s28, v0;
	v15 =	vld.idx.msk [tilespmem:v11+s3+$0x0], $0xffff;
	[tilespmem:s23+$0xFFFFFF80] =	vst v4  }
0x1f1: {  	v16 =	vadd.s32 s26, v0;
	s26 =	sadd.s32 $0x3, s24;
	v5 =	vld.idx.msk [tilespmem:v8+s3+$0x0], $0xffff;
	[tilespmem:s23+$0xFFFFFC80] =	vst v3;
	s23 =	sadd.s32 $0x400, s23  }
.Ltmp10:
0x1f2: {  	v10 =	vadd.s32 s26, v0;
	s26 =	sadd.s32 $0x4, s24;
	v4 =	vld.idx.msk [tilespmem:v9+s3+$0x0], $0xffff;
	[tilespmem:s23+$0x0] =	vst v1;
	(pc) =	sbr.rel @p0 .LBB2_23-.Ltmp10, $4  }
0x1f3: {  	v11 =	vadd.s32 s26, v0;
	s26 =	sadd.s32 $0x5, s24;
	v3 =	vld.idx.msk [tilespmem:v7+s3+$0x0], $0xffff;
	[tilespmem:s23+$0xFFFFFD00] =	vst v2  }
0x1f4: {  	v8 =	vadd.s32 s26, v0;
	s26 =	sadd.s32 $0x6, s24;
	v1 =	vld.idx.msk [tilespmem:v12+s3+$0x0], $0xffff;
	[tilespmem:s23+$0xFFFFFD80] =	vst v6  }
0x1f5: {  	v9 =	vadd.s32 s26, v0;
	v2 =	vld.idx.msk [tilespmem:v14+s3+$0x0], $0xffff;
	[tilespmem:s23+$0xFFFFFE00] =	vst v13  }
0x1f6: {  	v7 =	vadd.s32 s24, v0;
	s24 =	smov.u32 s25;
	s26 =	sadd.s32 $0x7, s25;
	s25 =	sadd.s32 $0x8, s25;
	v6 =	vld.idx.msk [tilespmem:v16+s3+$0x0], $0xffff;
	[tilespmem:s23+$0xFFFFFE80] =	vst v15  }
0x1f7: {  	_ =	sdelay $0x2  }
0x1f8: {  	[tilespmem:s23+$0xFFFFFF00] =	vst v5  }
0x1f9: {  	s25 =	sadd.s32 $0x1, s24;
	v5 =	vadd.s32 s26, v0;
	v10 =	vld.idx.msk [tilespmem:v10+s3+$0x0], $0xffff;
	[tilespmem:s23+$0xFFFFFF80] =	vst v4  }
0x1fa: {  	s29 =	sadd.s32 $0x2, s24;
	v11 =	vld.idx.msk [tilespmem:v11+s3+$0x0], $0xffff;
	s30 =	sadd.s32 $0x400, s23;
	v4 =	vadd.s32 s25, v0;
	[tilespmem:s23+$0xFFFFFC80] =	vst v3  }
0x1fb: {  	s31 =	sadd.s32 $0x3, s24;
	v8 =	vld.idx.msk [tilespmem:v8+s3+$0x0], $0xffff;
	v3 =	vadd.s32 s29, v0;
	[tilespmem:s30+$0x0] =	vst v1  }
0x1fc: {  	s26 =	sadd.s32 $0x4, s24;
	v9 =	vld.idx.msk [tilespmem:v9+s3+$0x0], $0xffff;
	v1 =	vadd.s32 s31, v0;
	[tilespmem:s30+$0xFFFFFD00] =	vst v2  }
0x1fd: {  	s28 =	sadd.s32 $0x5, s24;
	v7 =	vld.idx.msk [tilespmem:v7+s3+$0x0], $0xffff;
	v2 =	vadd.s32 s26, v0;
	[tilespmem:s30+$0xFFFFFD80] =	vst v6  }
0x1fe: {  	s29 =	sadd.s32 $0x6, s24;
	v6 =	vadd.s32 s28, v0;
	v5 =	vld.idx.msk [tilespmem:v5+s3+$0x0], $0xffff;
	[tilespmem:s30+$0xFFFFFE00] =	vst v10  }
0x1ff: {  	v10 =	vadd.s32 s29, v0;
	[tilespmem:s30+$0xFFFFFE80] =	vst v11;
	v4 =	vld.idx.msk [tilespmem:v4+s3+$0x0], $0xffff  }
0x200: {  	v0 =	vadd.s32 s24, v0;
	[tilespmem:s30+$0xFFFFFF00] =	vst v8;
	v3 =	vld.idx.msk [tilespmem:v3+s3+$0x0], $0xffff  }
0x201: {  	[tilespmem:s30+$0xFFFFFF80] =	vst v9;
	v1 =	vld.idx.msk [tilespmem:v1+s3+$0x0], $0xffff  }
0x202: {  	s23 =	sadd.s32 $0x400, s30;
	[tilespmem:s30+$0xFFFFFC80] =	vst v7;
	v2 =	vld.idx.msk [tilespmem:v2+s3+$0x0], $0xffff  }
0x203: {  	v6 =	vld.idx.msk [tilespmem:v6+s3+$0x0], $0xffff;
	[tilespmem:s23+$0x0] =	vst v5  }
0x204: {  	v5 =	vld.idx.msk [tilespmem:v10+s3+$0x0], $0xffff;
	[tilespmem:s23+$0xFFFFFD00] =	vst v4  }
0x205: {  	v0 =	vld.idx.msk [tilespmem:v0+s3+$0x0], $0xffff;
	[tilespmem:s23+$0xFFFFFD80] =	vst v3  }
0x206: {  	[tilespmem:s23+$0xFFFFFE00] =	vst v1  }
0x207: {  	[tilespmem:s23+$0xFFFFFE80] =	vst v2  }
0x208: {  	[tilespmem:s23+$0xFFFFFF00] =	vst v6  }
0x209: {  	[tilespmem:s23+$0xFFFFFF80] =	vst v5  }
0x20a: {  	[tilespmem:s23+$0xFFFFFC80] =	vst v0  }
0x20b: {  	v0 =	vld [tilespmem:s22+$0xFE20];
	_ =	sdelay $0x4  }
0x20c: {  	v0 =	vmul.u32 $0x41, v0  }
0x20d: {  	s30 =	simm.s32 $0x7  }
0x20e: {  	s31 =	simm.s32 $0x1;
	v1 =	vadd.s32 s30, v0  }
0x20f: {  	s24 =	simm.s32 $0x2;
	v2 =	vadd.s32 s31, v0  }
0x210: {  	s25 =	simm.s32 $0x3;
	v3 =	vadd.s32 s24, v0  }
0x211: {  	s26 =	simm.s32 $0x4;
	v4 =	vadd.s32 s25, v0  }
0x212: {  	s28 =	simm.s32 $0x5;
	v5 =	vadd.s32 s26, v0  }
0x213: {  	s29 =	simm.s32 $0x6;
	v6 =	vadd.s32 s28, v0;
	v1 =	vld.idx.msk [tilespmem:v1+s3+$0x0], $0xffff  }
0x214: {  	v7 =	vadd.s32 s29, v0;
	s31 =	simm.s32 $0xF;
	v2 =	vld.idx.msk [tilespmem:v2+s3+$0x0], $0xffff  }
0x215: {  	s30 =	simm.s32 $0x0;
	v11 =	vadd.s32 s31, v0;
	v9 =	vld.idx.msk [tilespmem:v3+s3+$0x0], $0xffff  }
0x216: {  	s26 =	simm.s32 $0xA;
	v8 =	vadd.s32 s30, v0;
	v12 =	vld.idx.msk [tilespmem:v4+s3+$0x0], $0xffff  }
0x217: {  	s25 =	simm.s32 $0x9;
	v15 =	vadd.s32 s26, v0;
	v14 =	vld.idx.msk [tilespmem:v5+s3+$0x0], $0xffff  }
0x218: {  	s23 =	simm.s32 $0x185A0;
	s28 =	simm.s32 $0xB;
	v13 =	vadd.s32 s25, v0;
	v5 =	vld.idx.msk [tilespmem:v6+s3+$0x0], $0xffff  }
0x219: {  	s29 =	simm.s32 $0xC;
	v10 =	vadd.s32 s28, v0;
	v4 =	vld.idx.msk [tilespmem:v7+s3+$0x0], $0xffff;
	[tilespmem:s23+$0x0] =	vst v1  }
0x21a: {  	s30 =	simm.s32 $0xD;
	[tilespmem:s23+$0xFFFFFD00] =	vst v2;
	v1 =	vld.idx.msk [tilespmem:v11+s3+$0x0], $0xffff;
	v11 =	vadd.s32 s29, v0  }
0x21b: {  	s31 =	simm.s32 $0xE;
	v3 =	vld.idx.msk [tilespmem:v8+s3+$0x0], $0xffff;
	v8 =	vadd.s32 s30, v0;
	[tilespmem:s23+$0xFFFFFD80] =	vst v9  }
0x21c: {  	s28 =	simm.s32 $0x8;
	v6 =	vld.idx.msk [tilespmem:v15+s3+$0x0], $0xffff;
	[tilespmem:s23+$0xFFFFFE00] =	vst v12;
	v9 =	vadd.s32 s31, v0  }
0x21d: {  	s24 =	simm.s32 $0x10;
	s26 =	simm.s32 $0x17;
	s25 =	simm.s32 $0x18;
	v7 =	vadd.s32 s28, v0;
	v2 =	vld.idx.msk [tilespmem:v13+s3+$0x0], $0xffff;
	[tilespmem:s23+$0xFFFFFE80] =	vst v14  }
.LBB2_25:
0x21e: {  	p0 =	slt.u32 s25, $0x38;
	s28 =	sadd.s32 $0x1, s24;
	v12 =	vadd.s32 s26, v0;
	v13 =	vld.idx.msk [tilespmem:v10+s3+$0x0], $0xffff;
	[tilespmem:s23+$0xFFFFFF00] =	vst v5  }
0x21f: {  	s26 =	sadd.s32 $0x2, s24;
	v14 =	vadd.s32 s28, v0;
	v15 =	vld.idx.msk [tilespmem:v11+s3+$0x0], $0xffff;
	[tilespmem:s23+$0xFFFFFF80] =	vst v4  }
0x220: {  	v16 =	vadd.s32 s26, v0;
	s26 =	sadd.s32 $0x3, s24;
	v5 =	vld.idx.msk [tilespmem:v8+s3+$0x0], $0xffff;
	[tilespmem:s23+$0xFFFFFC80] =	vst v3;
	s23 =	sadd.s32 $0x400, s23  }
.Ltmp11:
0x221: {  	v10 =	vadd.s32 s26, v0;
	s26 =	sadd.s32 $0x4, s24;
	v4 =	vld.idx.msk [tilespmem:v9+s3+$0x0], $0xffff;
	[tilespmem:s23+$0x0] =	vst v1;
	(pc) =	sbr.rel @p0 .LBB2_25-.Ltmp11, $4  }
0x222: {  	v11 =	vadd.s32 s26, v0;
	s26 =	sadd.s32 $0x5, s24;
	v3 =	vld.idx.msk [tilespmem:v7+s3+$0x0], $0xffff;
	[tilespmem:s23+$0xFFFFFD00] =	vst v2  }
0x223: {  	v8 =	vadd.s32 s26, v0;
	s26 =	sadd.s32 $0x6, s24;
	v1 =	vld.idx.msk [tilespmem:v12+s3+$0x0], $0xffff;
	[tilespmem:s23+$0xFFFFFD80] =	vst v6  }
0x224: {  	v9 =	vadd.s32 s26, v0;
	v2 =	vld.idx.msk [tilespmem:v14+s3+$0x0], $0xffff;
	[tilespmem:s23+$0xFFFFFE00] =	vst v13  }
0x225: {  	v7 =	vadd.s32 s24, v0;
	s24 =	smov.u32 s25;
	s26 =	sadd.s32 $0x7, s25;
	s25 =	sadd.s32 $0x8, s25;
	v6 =	vld.idx.msk [tilespmem:v16+s3+$0x0], $0xffff;
	[tilespmem:s23+$0xFFFFFE80] =	vst v15  }
0x226: {  	_ =	sdelay $0x2  }
0x227: {  	[tilespmem:s23+$0xFFFFFF00] =	vst v5  }
0x228: {  	s25 =	sadd.s32 $0x1, s24;
	v5 =	vadd.s32 s26, v0;
	v10 =	vld.idx.msk [tilespmem:v10+s3+$0x0], $0xffff;
	[tilespmem:s23+$0xFFFFFF80] =	vst v4  }
0x229: {  	s29 =	sadd.s32 $0x2, s24;
	v11 =	vld.idx.msk [tilespmem:v11+s3+$0x0], $0xffff;
	s30 =	sadd.s32 $0x400, s23;
	v4 =	vadd.s32 s25, v0;
	[tilespmem:s23+$0xFFFFFC80] =	vst v3  }
0x22a: {  	s31 =	sadd.s32 $0x3, s24;
	v8 =	vld.idx.msk [tilespmem:v8+s3+$0x0], $0xffff;
	v3 =	vadd.s32 s29, v0;
	[tilespmem:s30+$0x0] =	vst v1  }
0x22b: {  	s26 =	sadd.s32 $0x4, s24;
	v9 =	vld.idx.msk [tilespmem:v9+s3+$0x0], $0xffff;
	v1 =	vadd.s32 s31, v0;
	[tilespmem:s30+$0xFFFFFD00] =	vst v2  }
0x22c: {  	s28 =	sadd.s32 $0x5, s24;
	v7 =	vld.idx.msk [tilespmem:v7+s3+$0x0], $0xffff;
	v2 =	vadd.s32 s26, v0;
	[tilespmem:s30+$0xFFFFFD80] =	vst v6  }
0x22d: {  	s29 =	sadd.s32 $0x6, s24;
	v6 =	vadd.s32 s28, v0;
	v5 =	vld.idx.msk [tilespmem:v5+s3+$0x0], $0xffff;
	[tilespmem:s30+$0xFFFFFE00] =	vst v10  }
0x22e: {  	v10 =	vadd.s32 s29, v0;
	[tilespmem:s30+$0xFFFFFE80] =	vst v11;
	v4 =	vld.idx.msk [tilespmem:v4+s3+$0x0], $0xffff  }
0x22f: {  	v0 =	vadd.s32 s24, v0;
	[tilespmem:s30+$0xFFFFFF00] =	vst v8;
	v3 =	vld.idx.msk [tilespmem:v3+s3+$0x0], $0xffff  }
0x230: {  	[tilespmem:s30+$0xFFFFFF80] =	vst v9;
	v1 =	vld.idx.msk [tilespmem:v1+s3+$0x0], $0xffff  }
0x231: {  	s23 =	sadd.s32 $0x400, s30;
	[tilespmem:s30+$0xFFFFFC80] =	vst v7;
	v2 =	vld.idx.msk [tilespmem:v2+s3+$0x0], $0xffff  }
0x232: {  	v6 =	vld.idx.msk [tilespmem:v6+s3+$0x0], $0xffff;
	[tilespmem:s23+$0x0] =	vst v5  }
0x233: {  	v5 =	vld.idx.msk [tilespmem:v10+s3+$0x0], $0xffff;
	[tilespmem:s23+$0xFFFFFD00] =	vst v4  }
0x234: {  	v0 =	vld.idx.msk [tilespmem:v0+s3+$0x0], $0xffff;
	[tilespmem:s23+$0xFFFFFD80] =	vst v3  }
0x235: {  	[tilespmem:s23+$0xFFFFFE00] =	vst v1  }
0x236: {  	[tilespmem:s23+$0xFFFFFE80] =	vst v2  }
0x237: {  	[tilespmem:s23+$0xFFFFFF00] =	vst v6  }
0x238: {  	[tilespmem:s23+$0xFFFFFF80] =	vst v5  }
0x239: {  	[tilespmem:s23+$0xFFFFFC80] =	vst v0  }
0x23a: {  	v0 =	vld [tilespmem:s22+$0xFE30];
	_ =	sdelay $0x4  }
0x23b: {  	v0 =	vmul.u32 $0x41, v0  }
0x23c: {  	s30 =	simm.s32 $0x7  }
0x23d: {  	s31 =	simm.s32 $0x1;
	v1 =	vadd.s32 s30, v0  }
0x23e: {  	s24 =	simm.s32 $0x2;
	v2 =	vadd.s32 s31, v0  }
0x23f: {  	s25 =	simm.s32 $0x3;
	v3 =	vadd.s32 s24, v0  }
0x240: {  	s26 =	simm.s32 $0x4;
	v4 =	vadd.s32 s25, v0  }
0x241: {  	s28 =	simm.s32 $0x5;
	v5 =	vadd.s32 s26, v0  }
0x242: {  	s29 =	simm.s32 $0x6;
	v6 =	vadd.s32 s28, v0;
	v1 =	vld.idx.msk [tilespmem:v1+s3+$0x0], $0xffff  }
0x243: {  	v7 =	vadd.s32 s29, v0;
	s31 =	simm.s32 $0xF;
	v2 =	vld.idx.msk [tilespmem:v2+s3+$0x0], $0xffff  }
0x244: {  	s30 =	simm.s32 $0x0;
	v11 =	vadd.s32 s31, v0;
	v9 =	vld.idx.msk [tilespmem:v3+s3+$0x0], $0xffff  }
0x245: {  	s26 =	simm.s32 $0xA;
	v8 =	vadd.s32 s30, v0;
	v12 =	vld.idx.msk [tilespmem:v4+s3+$0x0], $0xffff  }
0x246: {  	s25 =	simm.s32 $0x9;
	v15 =	vadd.s32 s26, v0;
	v14 =	vld.idx.msk [tilespmem:v5+s3+$0x0], $0xffff  }
0x247: {  	s23 =	simm.s32 $0x185B0;
	s28 =	simm.s32 $0xB;
	v13 =	vadd.s32 s25, v0;
	v5 =	vld.idx.msk [tilespmem:v6+s3+$0x0], $0xffff  }
0x248: {  	s29 =	simm.s32 $0xC;
	v10 =	vadd.s32 s28, v0;
	v4 =	vld.idx.msk [tilespmem:v7+s3+$0x0], $0xffff;
	[tilespmem:s23+$0x0] =	vst v1  }
0x249: {  	s30 =	simm.s32 $0xD;
	[tilespmem:s23+$0xFFFFFD00] =	vst v2;
	v1 =	vld.idx.msk [tilespmem:v11+s3+$0x0], $0xffff;
	v11 =	vadd.s32 s29, v0  }
0x24a: {  	s31 =	simm.s32 $0xE;
	v3 =	vld.idx.msk [tilespmem:v8+s3+$0x0], $0xffff;
	v8 =	vadd.s32 s30, v0;
	[tilespmem:s23+$0xFFFFFD80] =	vst v9  }
0x24b: {  	s28 =	simm.s32 $0x8;
	v6 =	vld.idx.msk [tilespmem:v15+s3+$0x0], $0xffff;
	[tilespmem:s23+$0xFFFFFE00] =	vst v12;
	v9 =	vadd.s32 s31, v0  }
0x24c: {  	s24 =	simm.s32 $0x10;
	s26 =	simm.s32 $0x17;
	s25 =	simm.s32 $0x18;
	v7 =	vadd.s32 s28, v0;
	v2 =	vld.idx.msk [tilespmem:v13+s3+$0x0], $0xffff;
	[tilespmem:s23+$0xFFFFFE80] =	vst v14  }
.LBB2_27:
0x24d: {  	p0 =	slt.u32 s25, $0x38;
	s28 =	sadd.s32 $0x1, s24;
	v12 =	vadd.s32 s26, v0;
	v13 =	vld.idx.msk [tilespmem:v10+s3+$0x0], $0xffff;
	[tilespmem:s23+$0xFFFFFF00] =	vst v5  }
0x24e: {  	s26 =	sadd.s32 $0x2, s24;
	v14 =	vadd.s32 s28, v0;
	v15 =	vld.idx.msk [tilespmem:v11+s3+$0x0], $0xffff;
	[tilespmem:s23+$0xFFFFFF80] =	vst v4  }
0x24f: {  	v16 =	vadd.s32 s26, v0;
	s26 =	sadd.s32 $0x3, s24;
	v5 =	vld.idx.msk [tilespmem:v8+s3+$0x0], $0xffff;
	[tilespmem:s23+$0xFFFFFC80] =	vst v3;
	s23 =	sadd.s32 $0x400, s23  }
.Ltmp12:
0x250: {  	v10 =	vadd.s32 s26, v0;
	s26 =	sadd.s32 $0x4, s24;
	v4 =	vld.idx.msk [tilespmem:v9+s3+$0x0], $0xffff;
	[tilespmem:s23+$0x0] =	vst v1;
	(pc) =	sbr.rel @p0 .LBB2_27-.Ltmp12, $4  }
0x251: {  	v11 =	vadd.s32 s26, v0;
	s26 =	sadd.s32 $0x5, s24;
	v3 =	vld.idx.msk [tilespmem:v7+s3+$0x0], $0xffff;
	[tilespmem:s23+$0xFFFFFD00] =	vst v2  }
0x252: {  	v8 =	vadd.s32 s26, v0;
	s26 =	sadd.s32 $0x6, s24;
	v1 =	vld.idx.msk [tilespmem:v12+s3+$0x0], $0xffff;
	[tilespmem:s23+$0xFFFFFD80] =	vst v6  }
0x253: {  	v9 =	vadd.s32 s26, v0;
	v2 =	vld.idx.msk [tilespmem:v14+s3+$0x0], $0xffff;
	[tilespmem:s23+$0xFFFFFE00] =	vst v13  }
0x254: {  	v7 =	vadd.s32 s24, v0;
	s24 =	smov.u32 s25;
	s26 =	sadd.s32 $0x7, s25;
	s25 =	sadd.s32 $0x8, s25;
	v6 =	vld.idx.msk [tilespmem:v16+s3+$0x0], $0xffff;
	[tilespmem:s23+$0xFFFFFE80] =	vst v15  }
0x255: {  	_ =	sdelay $0x2  }
0x256: {  	[tilespmem:s23+$0xFFFFFF00] =	vst v5  }
0x257: {  	s25 =	sadd.s32 $0x1, s24;
	v5 =	vadd.s32 s26, v0;
	v10 =	vld.idx.msk [tilespmem:v10+s3+$0x0], $0xffff;
	[tilespmem:s23+$0xFFFFFF80] =	vst v4  }
0x258: {  	s29 =	sadd.s32 $0x2, s24;
	v11 =	vld.idx.msk [tilespmem:v11+s3+$0x0], $0xffff;
	s30 =	sadd.s32 $0x400, s23;
	v4 =	vadd.s32 s25, v0;
	[tilespmem:s23+$0xFFFFFC80] =	vst v3  }
0x259: {  	s31 =	sadd.s32 $0x3, s24;
	v8 =	vld.idx.msk [tilespmem:v8+s3+$0x0], $0xffff;
	v3 =	vadd.s32 s29, v0;
	[tilespmem:s30+$0x0] =	vst v1  }
0x25a: {  	s26 =	sadd.s32 $0x4, s24;
	v9 =	vld.idx.msk [tilespmem:v9+s3+$0x0], $0xffff;
	v1 =	vadd.s32 s31, v0;
	[tilespmem:s30+$0xFFFFFD00] =	vst v2  }
0x25b: {  	s28 =	sadd.s32 $0x5, s24;
	v7 =	vld.idx.msk [tilespmem:v7+s3+$0x0], $0xffff;
	v2 =	vadd.s32 s26, v0;
	[tilespmem:s30+$0xFFFFFD80] =	vst v6  }
0x25c: {  	s29 =	sadd.s32 $0x6, s24;
	v6 =	vadd.s32 s28, v0;
	v5 =	vld.idx.msk [tilespmem:v5+s3+$0x0], $0xffff;
	[tilespmem:s30+$0xFFFFFE00] =	vst v10  }
0x25d: {  	v10 =	vadd.s32 s29, v0;
	[tilespmem:s30+$0xFFFFFE80] =	vst v11;
	v4 =	vld.idx.msk [tilespmem:v4+s3+$0x0], $0xffff  }
0x25e: {  	v0 =	vadd.s32 s24, v0;
	[tilespmem:s30+$0xFFFFFF00] =	vst v8;
	v3 =	vld.idx.msk [tilespmem:v3+s3+$0x0], $0xffff  }
0x25f: {  	[tilespmem:s30+$0xFFFFFF80] =	vst v9;
	v1 =	vld.idx.msk [tilespmem:v1+s3+$0x0], $0xffff  }
0x260: {  	s23 =	sadd.s32 $0x400, s30;
	[tilespmem:s30+$0xFFFFFC80] =	vst v7;
	v2 =	vld.idx.msk [tilespmem:v2+s3+$0x0], $0xffff  }
0x261: {  	v6 =	vld.idx.msk [tilespmem:v6+s3+$0x0], $0xffff;
	[tilespmem:s23+$0x0] =	vst v5  }
0x262: {  	v5 =	vld.idx.msk [tilespmem:v10+s3+$0x0], $0xffff;
	[tilespmem:s23+$0xFFFFFD00] =	vst v4  }
0x263: {  	v0 =	vld.idx.msk [tilespmem:v0+s3+$0x0], $0xffff;
	[tilespmem:s23+$0xFFFFFD80] =	vst v3  }
0x264: {  	[tilespmem:s23+$0xFFFFFE00] =	vst v1  }
0x265: {  	[tilespmem:s23+$0xFFFFFE80] =	vst v2  }
0x266: {  	[tilespmem:s23+$0xFFFFFF00] =	vst v6  }
0x267: {  	[tilespmem:s23+$0xFFFFFF80] =	vst v5  }
0x268: {  	[tilespmem:s23+$0xFFFFFC80] =	vst v0  }
0x269: {  	v0 =	vld [tilespmem:s22+$0xFE40];
	_ =	sdelay $0x4  }
0x26a: {  	v0 =	vmul.u32 $0x41, v0  }
0x26b: {  	s30 =	simm.s32 $0x7  }
0x26c: {  	s31 =	simm.s32 $0x1;
	v1 =	vadd.s32 s30, v0  }
0x26d: {  	s24 =	simm.s32 $0x2;
	v2 =	vadd.s32 s31, v0  }
0x26e: {  	s25 =	simm.s32 $0x3;
	v3 =	vadd.s32 s24, v0  }
0x26f: {  	s26 =	simm.s32 $0x4;
	v4 =	vadd.s32 s25, v0  }
0x270: {  	s28 =	simm.s32 $0x5;
	v5 =	vadd.s32 s26, v0  }
0x271: {  	s29 =	simm.s32 $0x6;
	v6 =	vadd.s32 s28, v0;
	v1 =	vld.idx.msk [tilespmem:v1+s3+$0x0], $0xffff  }
0x272: {  	v7 =	vadd.s32 s29, v0;
	s31 =	simm.s32 $0xF;
	v2 =	vld.idx.msk [tilespmem:v2+s3+$0x0], $0xffff  }
0x273: {  	s30 =	simm.s32 $0x0;
	v11 =	vadd.s32 s31, v0;
	v9 =	vld.idx.msk [tilespmem:v3+s3+$0x0], $0xffff  }
0x274: {  	s26 =	simm.s32 $0xA;
	v8 =	vadd.s32 s30, v0;
	v12 =	vld.idx.msk [tilespmem:v4+s3+$0x0], $0xffff  }
0x275: {  	s25 =	simm.s32 $0x9;
	v15 =	vadd.s32 s26, v0;
	v14 =	vld.idx.msk [tilespmem:v5+s3+$0x0], $0xffff  }
0x276: {  	s23 =	simm.s32 $0x185C0;
	s28 =	simm.s32 $0xB;
	v13 =	vadd.s32 s25, v0;
	v5 =	vld.idx.msk [tilespmem:v6+s3+$0x0], $0xffff  }
0x277: {  	s29 =	simm.s32 $0xC;
	v10 =	vadd.s32 s28, v0;
	v4 =	vld.idx.msk [tilespmem:v7+s3+$0x0], $0xffff;
	[tilespmem:s23+$0x0] =	vst v1  }
0x278: {  	s30 =	simm.s32 $0xD;
	[tilespmem:s23+$0xFFFFFD00] =	vst v2;
	v1 =	vld.idx.msk [tilespmem:v11+s3+$0x0], $0xffff;
	v11 =	vadd.s32 s29, v0  }
0x279: {  	s31 =	simm.s32 $0xE;
	v3 =	vld.idx.msk [tilespmem:v8+s3+$0x0], $0xffff;
	v8 =	vadd.s32 s30, v0;
	[tilespmem:s23+$0xFFFFFD80] =	vst v9  }
0x27a: {  	s28 =	simm.s32 $0x8;
	v6 =	vld.idx.msk [tilespmem:v15+s3+$0x0], $0xffff;
	[tilespmem:s23+$0xFFFFFE00] =	vst v12;
	v9 =	vadd.s32 s31, v0  }
0x27b: {  	s24 =	simm.s32 $0x10;
	s26 =	simm.s32 $0x17;
	s25 =	simm.s32 $0x18;
	v7 =	vadd.s32 s28, v0;
	v2 =	vld.idx.msk [tilespmem:v13+s3+$0x0], $0xffff;
	[tilespmem:s23+$0xFFFFFE80] =	vst v14  }
.LBB2_29:
0x27c: {  	p0 =	slt.u32 s25, $0x38;
	s28 =	sadd.s32 $0x1, s24;
	v12 =	vadd.s32 s26, v0;
	v13 =	vld.idx.msk [tilespmem:v10+s3+$0x0], $0xffff;
	[tilespmem:s23+$0xFFFFFF00] =	vst v5  }
0x27d: {  	s26 =	sadd.s32 $0x2, s24;
	v14 =	vadd.s32 s28, v0;
	v15 =	vld.idx.msk [tilespmem:v11+s3+$0x0], $0xffff;
	[tilespmem:s23+$0xFFFFFF80] =	vst v4  }
0x27e: {  	v16 =	vadd.s32 s26, v0;
	s26 =	sadd.s32 $0x3, s24;
	v5 =	vld.idx.msk [tilespmem:v8+s3+$0x0], $0xffff;
	[tilespmem:s23+$0xFFFFFC80] =	vst v3;
	s23 =	sadd.s32 $0x400, s23  }
.Ltmp13:
0x27f: {  	v10 =	vadd.s32 s26, v0;
	s26 =	sadd.s32 $0x4, s24;
	v4 =	vld.idx.msk [tilespmem:v9+s3+$0x0], $0xffff;
	[tilespmem:s23+$0x0] =	vst v1;
	(pc) =	sbr.rel @p0 .LBB2_29-.Ltmp13, $4  }
0x280: {  	v11 =	vadd.s32 s26, v0;
	s26 =	sadd.s32 $0x5, s24;
	v3 =	vld.idx.msk [tilespmem:v7+s3+$0x0], $0xffff;
	[tilespmem:s23+$0xFFFFFD00] =	vst v2  }
0x281: {  	v8 =	vadd.s32 s26, v0;
	s26 =	sadd.s32 $0x6, s24;
	v1 =	vld.idx.msk [tilespmem:v12+s3+$0x0], $0xffff;
	[tilespmem:s23+$0xFFFFFD80] =	vst v6  }
0x282: {  	v9 =	vadd.s32 s26, v0;
	v2 =	vld.idx.msk [tilespmem:v14+s3+$0x0], $0xffff;
	[tilespmem:s23+$0xFFFFFE00] =	vst v13  }
0x283: {  	v7 =	vadd.s32 s24, v0;
	s24 =	smov.u32 s25;
	s26 =	sadd.s32 $0x7, s25;
	s25 =	sadd.s32 $0x8, s25;
	v6 =	vld.idx.msk [tilespmem:v16+s3+$0x0], $0xffff;
	[tilespmem:s23+$0xFFFFFE80] =	vst v15  }
0x284: {  	_ =	sdelay $0x2  }
0x285: {  	[tilespmem:s23+$0xFFFFFF00] =	vst v5  }
0x286: {  	s25 =	sadd.s32 $0x1, s24;
	v5 =	vadd.s32 s26, v0;
	v10 =	vld.idx.msk [tilespmem:v10+s3+$0x0], $0xffff;
	[tilespmem:s23+$0xFFFFFF80] =	vst v4  }
0x287: {  	s29 =	sadd.s32 $0x2, s24;
	v11 =	vld.idx.msk [tilespmem:v11+s3+$0x0], $0xffff;
	s30 =	sadd.s32 $0x400, s23;
	v4 =	vadd.s32 s25, v0;
	[tilespmem:s23+$0xFFFFFC80] =	vst v3  }
0x288: {  	s31 =	sadd.s32 $0x3, s24;
	v8 =	vld.idx.msk [tilespmem:v8+s3+$0x0], $0xffff;
	v3 =	vadd.s32 s29, v0;
	[tilespmem:s30+$0x0] =	vst v1  }
0x289: {  	s26 =	sadd.s32 $0x4, s24;
	v9 =	vld.idx.msk [tilespmem:v9+s3+$0x0], $0xffff;
	v1 =	vadd.s32 s31, v0;
	[tilespmem:s30+$0xFFFFFD00] =	vst v2  }
0x28a: {  	s28 =	sadd.s32 $0x5, s24;
	v7 =	vld.idx.msk [tilespmem:v7+s3+$0x0], $0xffff;
	v2 =	vadd.s32 s26, v0;
	[tilespmem:s30+$0xFFFFFD80] =	vst v6  }
0x28b: {  	s29 =	sadd.s32 $0x6, s24;
	v6 =	vadd.s32 s28, v0;
	v5 =	vld.idx.msk [tilespmem:v5+s3+$0x0], $0xffff;
	[tilespmem:s30+$0xFFFFFE00] =	vst v10  }
0x28c: {  	v10 =	vadd.s32 s29, v0;
	[tilespmem:s30+$0xFFFFFE80] =	vst v11;
	v4 =	vld.idx.msk [tilespmem:v4+s3+$0x0], $0xffff  }
0x28d: {  	v0 =	vadd.s32 s24, v0;
	[tilespmem:s30+$0xFFFFFF00] =	vst v8;
	v3 =	vld.idx.msk [tilespmem:v3+s3+$0x0], $0xffff  }
0x28e: {  	[tilespmem:s30+$0xFFFFFF80] =	vst v9;
	v1 =	vld.idx.msk [tilespmem:v1+s3+$0x0], $0xffff  }
0x28f: {  	s23 =	sadd.s32 $0x400, s30;
	[tilespmem:s30+$0xFFFFFC80] =	vst v7;
	v2 =	vld.idx.msk [tilespmem:v2+s3+$0x0], $0xffff  }
0x290: {  	v6 =	vld.idx.msk [tilespmem:v6+s3+$0x0], $0xffff;
	[tilespmem:s23+$0x0] =	vst v5  }
0x291: {  	v5 =	vld.idx.msk [tilespmem:v10+s3+$0x0], $0xffff;
	[tilespmem:s23+$0xFFFFFD00] =	vst v4  }
0x292: {  	v0 =	vld.idx.msk [tilespmem:v0+s3+$0x0], $0xffff;
	[tilespmem:s23+$0xFFFFFD80] =	vst v3  }
0x293: {  	[tilespmem:s23+$0xFFFFFE00] =	vst v1  }
0x294: {  	[tilespmem:s23+$0xFFFFFE80] =	vst v2  }
0x295: {  	[tilespmem:s23+$0xFFFFFF00] =	vst v6  }
0x296: {  	[tilespmem:s23+$0xFFFFFF80] =	vst v5  }
0x297: {  	[tilespmem:s23+$0xFFFFFC80] =	vst v0  }
0x298: {  	v0 =	vld [tilespmem:s22+$0xFE50];
	_ =	sdelay $0x4  }
0x299: {  	v0 =	vmul.u32 $0x41, v0  }
0x29a: {  	s30 =	simm.s32 $0x7  }
0x29b: {  	s31 =	simm.s32 $0x1;
	v1 =	vadd.s32 s30, v0  }
0x29c: {  	s24 =	simm.s32 $0x2;
	v2 =	vadd.s32 s31, v0  }
0x29d: {  	s25 =	simm.s32 $0x3;
	v3 =	vadd.s32 s24, v0  }
0x29e: {  	s26 =	simm.s32 $0x4;
	v4 =	vadd.s32 s25, v0  }
0x29f: {  	s28 =	simm.s32 $0x5;
	v5 =	vadd.s32 s26, v0  }
0x2a0: {  	s29 =	simm.s32 $0x6;
	v6 =	vadd.s32 s28, v0;
	v1 =	vld.idx.msk [tilespmem:v1+s3+$0x0], $0xffff  }
0x2a1: {  	v7 =	vadd.s32 s29, v0;
	s31 =	simm.s32 $0xF;
	v2 =	vld.idx.msk [tilespmem:v2+s3+$0x0], $0xffff  }
0x2a2: {  	s30 =	simm.s32 $0x0;
	v11 =	vadd.s32 s31, v0;
	v9 =	vld.idx.msk [tilespmem:v3+s3+$0x0], $0xffff  }
0x2a3: {  	s26 =	simm.s32 $0xA;
	v8 =	vadd.s32 s30, v0;
	v12 =	vld.idx.msk [tilespmem:v4+s3+$0x0], $0xffff  }
0x2a4: {  	s25 =	simm.s32 $0x9;
	v15 =	vadd.s32 s26, v0;
	v14 =	vld.idx.msk [tilespmem:v5+s3+$0x0], $0xffff  }
0x2a5: {  	s23 =	simm.s32 $0x185D0;
	s28 =	simm.s32 $0xB;
	v13 =	vadd.s32 s25, v0;
	v5 =	vld.idx.msk [tilespmem:v6+s3+$0x0], $0xffff  }
0x2a6: {  	s29 =	simm.s32 $0xC;
	v10 =	vadd.s32 s28, v0;
	v4 =	vld.idx.msk [tilespmem:v7+s3+$0x0], $0xffff;
	[tilespmem:s23+$0x0] =	vst v1  }
0x2a7: {  	s30 =	simm.s32 $0xD;
	[tilespmem:s23+$0xFFFFFD00] =	vst v2;
	v1 =	vld.idx.msk [tilespmem:v11+s3+$0x0], $0xffff;
	v11 =	vadd.s32 s29, v0  }
0x2a8: {  	s31 =	simm.s32 $0xE;
	v3 =	vld.idx.msk [tilespmem:v8+s3+$0x0], $0xffff;
	v8 =	vadd.s32 s30, v0;
	[tilespmem:s23+$0xFFFFFD80] =	vst v9  }
0x2a9: {  	s28 =	simm.s32 $0x8;
	v6 =	vld.idx.msk [tilespmem:v15+s3+$0x0], $0xffff;
	[tilespmem:s23+$0xFFFFFE00] =	vst v12;
	v9 =	vadd.s32 s31, v0  }
0x2aa: {  	s24 =	simm.s32 $0x10;
	s26 =	simm.s32 $0x17;
	s25 =	simm.s32 $0x18;
	v7 =	vadd.s32 s28, v0;
	v2 =	vld.idx.msk [tilespmem:v13+s3+$0x0], $0xffff;
	[tilespmem:s23+$0xFFFFFE80] =	vst v14  }
.LBB2_31:
0x2ab: {  	p0 =	slt.u32 s25, $0x38;
	s28 =	sadd.s32 $0x1, s24;
	v12 =	vadd.s32 s26, v0;
	v13 =	vld.idx.msk [tilespmem:v10+s3+$0x0], $0xffff;
	[tilespmem:s23+$0xFFFFFF00] =	vst v5  }
0x2ac: {  	s26 =	sadd.s32 $0x2, s24;
	v14 =	vadd.s32 s28, v0;
	v15 =	vld.idx.msk [tilespmem:v11+s3+$0x0], $0xffff;
	[tilespmem:s23+$0xFFFFFF80] =	vst v4  }
0x2ad: {  	v16 =	vadd.s32 s26, v0;
	s26 =	sadd.s32 $0x3, s24;
	v5 =	vld.idx.msk [tilespmem:v8+s3+$0x0], $0xffff;
	[tilespmem:s23+$0xFFFFFC80] =	vst v3;
	s23 =	sadd.s32 $0x400, s23  }
.Ltmp14:
0x2ae: {  	v10 =	vadd.s32 s26, v0;
	s26 =	sadd.s32 $0x4, s24;
	v4 =	vld.idx.msk [tilespmem:v9+s3+$0x0], $0xffff;
	[tilespmem:s23+$0x0] =	vst v1;
	(pc) =	sbr.rel @p0 .LBB2_31-.Ltmp14, $4  }
0x2af: {  	v11 =	vadd.s32 s26, v0;
	s26 =	sadd.s32 $0x5, s24;
	v3 =	vld.idx.msk [tilespmem:v7+s3+$0x0], $0xffff;
	[tilespmem:s23+$0xFFFFFD00] =	vst v2  }
0x2b0: {  	v8 =	vadd.s32 s26, v0;
	s26 =	sadd.s32 $0x6, s24;
	v1 =	vld.idx.msk [tilespmem:v12+s3+$0x0], $0xffff;
	[tilespmem:s23+$0xFFFFFD80] =	vst v6  }
0x2b1: {  	v9 =	vadd.s32 s26, v0;
	v2 =	vld.idx.msk [tilespmem:v14+s3+$0x0], $0xffff;
	[tilespmem:s23+$0xFFFFFE00] =	vst v13  }
0x2b2: {  	v7 =	vadd.s32 s24, v0;
	s24 =	smov.u32 s25;
	s26 =	sadd.s32 $0x7, s25;
	s25 =	sadd.s32 $0x8, s25;
	v6 =	vld.idx.msk [tilespmem:v16+s3+$0x0], $0xffff;
	[tilespmem:s23+$0xFFFFFE80] =	vst v15  }
0x2b3: {  	_ =	sdelay $0x2  }
0x2b4: {  	[tilespmem:s23+$0xFFFFFF00] =	vst v5  }
0x2b5: {  	s25 =	sadd.s32 $0x1, s24;
	v5 =	vadd.s32 s26, v0;
	v10 =	vld.idx.msk [tilespmem:v10+s3+$0x0], $0xffff;
	[tilespmem:s23+$0xFFFFFF80] =	vst v4  }
0x2b6: {  	s29 =	sadd.s32 $0x2, s24;
	v11 =	vld.idx.msk [tilespmem:v11+s3+$0x0], $0xffff;
	s30 =	sadd.s32 $0x400, s23;
	v4 =	vadd.s32 s25, v0;
	[tilespmem:s23+$0xFFFFFC80] =	vst v3  }
0x2b7: {  	s31 =	sadd.s32 $0x3, s24;
	v8 =	vld.idx.msk [tilespmem:v8+s3+$0x0], $0xffff;
	v3 =	vadd.s32 s29, v0;
	[tilespmem:s30+$0x0] =	vst v1  }
0x2b8: {  	s26 =	sadd.s32 $0x4, s24;
	v9 =	vld.idx.msk [tilespmem:v9+s3+$0x0], $0xffff;
	v1 =	vadd.s32 s31, v0;
	[tilespmem:s30+$0xFFFFFD00] =	vst v2  }
0x2b9: {  	s28 =	sadd.s32 $0x5, s24;
	v7 =	vld.idx.msk [tilespmem:v7+s3+$0x0], $0xffff;
	v2 =	vadd.s32 s26, v0;
	[tilespmem:s30+$0xFFFFFD80] =	vst v6  }
0x2ba: {  	s29 =	sadd.s32 $0x6, s24;
	v6 =	vadd.s32 s28, v0;
	v5 =	vld.idx.msk [tilespmem:v5+s3+$0x0], $0xffff;
	[tilespmem:s30+$0xFFFFFE00] =	vst v10  }
0x2bb: {  	v10 =	vadd.s32 s29, v0;
	[tilespmem:s30+$0xFFFFFE80] =	vst v11;
	v4 =	vld.idx.msk [tilespmem:v4+s3+$0x0], $0xffff  }
0x2bc: {  	v0 =	vadd.s32 s24, v0;
	[tilespmem:s30+$0xFFFFFF00] =	vst v8;
	v3 =	vld.idx.msk [tilespmem:v3+s3+$0x0], $0xffff  }
0x2bd: {  	[tilespmem:s30+$0xFFFFFF80] =	vst v9;
	v1 =	vld.idx.msk [tilespmem:v1+s3+$0x0], $0xffff  }
0x2be: {  	s23 =	sadd.s32 $0x400, s30;
	[tilespmem:s30+$0xFFFFFC80] =	vst v7;
	v2 =	vld.idx.msk [tilespmem:v2+s3+$0x0], $0xffff  }
0x2bf: {  	v6 =	vld.idx.msk [tilespmem:v6+s3+$0x0], $0xffff;
	[tilespmem:s23+$0x0] =	vst v5  }
0x2c0: {  	v5 =	vld.idx.msk [tilespmem:v10+s3+$0x0], $0xffff;
	[tilespmem:s23+$0xFFFFFD00] =	vst v4  }
0x2c1: {  	v0 =	vld.idx.msk [tilespmem:v0+s3+$0x0], $0xffff;
	[tilespmem:s23+$0xFFFFFD80] =	vst v3  }
0x2c2: {  	[tilespmem:s23+$0xFFFFFE00] =	vst v1  }
0x2c3: {  	[tilespmem:s23+$0xFFFFFE80] =	vst v2  }
0x2c4: {  	[tilespmem:s23+$0xFFFFFF00] =	vst v6  }
0x2c5: {  	[tilespmem:s23+$0xFFFFFF80] =	vst v5  }
0x2c6: {  	[tilespmem:s23+$0xFFFFFC80] =	vst v0  }
0x2c7: {  	v0 =	vld [tilespmem:s22+$0xFE60];
	_ =	sdelay $0x4  }
0x2c8: {  	v0 =	vmul.u32 $0x41, v0  }
0x2c9: {  	s30 =	simm.s32 $0x7  }
0x2ca: {  	s31 =	simm.s32 $0x1;
	v1 =	vadd.s32 s30, v0  }
0x2cb: {  	s24 =	simm.s32 $0x2;
	v2 =	vadd.s32 s31, v0  }
0x2cc: {  	s25 =	simm.s32 $0x3;
	v3 =	vadd.s32 s24, v0  }
0x2cd: {  	s26 =	simm.s32 $0x4;
	v4 =	vadd.s32 s25, v0  }
0x2ce: {  	s28 =	simm.s32 $0x5;
	v5 =	vadd.s32 s26, v0  }
0x2cf: {  	s29 =	simm.s32 $0x6;
	v6 =	vadd.s32 s28, v0;
	v1 =	vld.idx.msk [tilespmem:v1+s3+$0x0], $0xffff  }
0x2d0: {  	v7 =	vadd.s32 s29, v0;
	s31 =	simm.s32 $0xF;
	v2 =	vld.idx.msk [tilespmem:v2+s3+$0x0], $0xffff  }
0x2d1: {  	s30 =	simm.s32 $0x0;
	v11 =	vadd.s32 s31, v0;
	v9 =	vld.idx.msk [tilespmem:v3+s3+$0x0], $0xffff  }
0x2d2: {  	s26 =	simm.s32 $0xA;
	v8 =	vadd.s32 s30, v0;
	v12 =	vld.idx.msk [tilespmem:v4+s3+$0x0], $0xffff  }
0x2d3: {  	s25 =	simm.s32 $0x9;
	v15 =	vadd.s32 s26, v0;
	v14 =	vld.idx.msk [tilespmem:v5+s3+$0x0], $0xffff  }
0x2d4: {  	s23 =	simm.s32 $0x185E0;
	s28 =	simm.s32 $0xB;
	v13 =	vadd.s32 s25, v0;
	v5 =	vld.idx.msk [tilespmem:v6+s3+$0x0], $0xffff  }
0x2d5: {  	s29 =	simm.s32 $0xC;
	v10 =	vadd.s32 s28, v0;
	v4 =	vld.idx.msk [tilespmem:v7+s3+$0x0], $0xffff;
	[tilespmem:s23+$0x0] =	vst v1  }
0x2d6: {  	s30 =	simm.s32 $0xD;
	[tilespmem:s23+$0xFFFFFD00] =	vst v2;
	v1 =	vld.idx.msk [tilespmem:v11+s3+$0x0], $0xffff;
	v11 =	vadd.s32 s29, v0  }
0x2d7: {  	s31 =	simm.s32 $0xE;
	v3 =	vld.idx.msk [tilespmem:v8+s3+$0x0], $0xffff;
	v8 =	vadd.s32 s30, v0;
	[tilespmem:s23+$0xFFFFFD80] =	vst v9  }
0x2d8: {  	s28 =	simm.s32 $0x8;
	v6 =	vld.idx.msk [tilespmem:v15+s3+$0x0], $0xffff;
	[tilespmem:s23+$0xFFFFFE00] =	vst v12;
	v9 =	vadd.s32 s31, v0  }
0x2d9: {  	s24 =	simm.s32 $0x10;
	s26 =	simm.s32 $0x17;
	s25 =	simm.s32 $0x18;
	v7 =	vadd.s32 s28, v0;
	v2 =	vld.idx.msk [tilespmem:v13+s3+$0x0], $0xffff;
	[tilespmem:s23+$0xFFFFFE80] =	vst v14  }
.LBB2_33:
0x2da: {  	p0 =	slt.u32 s25, $0x38;
	s28 =	sadd.s32 $0x1, s24;
	v12 =	vadd.s32 s26, v0;
	v13 =	vld.idx.msk [tilespmem:v10+s3+$0x0], $0xffff;
	[tilespmem:s23+$0xFFFFFF00] =	vst v5  }
0x2db: {  	s26 =	sadd.s32 $0x2, s24;
	v14 =	vadd.s32 s28, v0;
	v15 =	vld.idx.msk [tilespmem:v11+s3+$0x0], $0xffff;
	[tilespmem:s23+$0xFFFFFF80] =	vst v4  }
0x2dc: {  	v16 =	vadd.s32 s26, v0;
	s26 =	sadd.s32 $0x3, s24;
	v5 =	vld.idx.msk [tilespmem:v8+s3+$0x0], $0xffff;
	[tilespmem:s23+$0xFFFFFC80] =	vst v3;
	s23 =	sadd.s32 $0x400, s23  }
.Ltmp15:
0x2dd: {  	v10 =	vadd.s32 s26, v0;
	s26 =	sadd.s32 $0x4, s24;
	v4 =	vld.idx.msk [tilespmem:v9+s3+$0x0], $0xffff;
	[tilespmem:s23+$0x0] =	vst v1;
	(pc) =	sbr.rel @p0 .LBB2_33-.Ltmp15, $4  }
0x2de: {  	v11 =	vadd.s32 s26, v0;
	s26 =	sadd.s32 $0x5, s24;
	v3 =	vld.idx.msk [tilespmem:v7+s3+$0x0], $0xffff;
	[tilespmem:s23+$0xFFFFFD00] =	vst v2  }
0x2df: {  	v8 =	vadd.s32 s26, v0;
	s26 =	sadd.s32 $0x6, s24;
	v1 =	vld.idx.msk [tilespmem:v12+s3+$0x0], $0xffff;
	[tilespmem:s23+$0xFFFFFD80] =	vst v6  }
0x2e0: {  	v9 =	vadd.s32 s26, v0;
	v2 =	vld.idx.msk [tilespmem:v14+s3+$0x0], $0xffff;
	[tilespmem:s23+$0xFFFFFE00] =	vst v13  }
0x2e1: {  	v7 =	vadd.s32 s24, v0;
	s24 =	smov.u32 s25;
	s26 =	sadd.s32 $0x7, s25;
	s25 =	sadd.s32 $0x8, s25;
	v6 =	vld.idx.msk [tilespmem:v16+s3+$0x0], $0xffff;
	[tilespmem:s23+$0xFFFFFE80] =	vst v15  }
0x2e2: {  	_ =	sdelay $0x2  }
0x2e3: {  	[tilespmem:s23+$0xFFFFFF00] =	vst v5  }
0x2e4: {  	s25 =	sadd.s32 $0x1, s24;
	v5 =	vadd.s32 s26, v0;
	v10 =	vld.idx.msk [tilespmem:v10+s3+$0x0], $0xffff;
	[tilespmem:s23+$0xFFFFFF80] =	vst v4  }
0x2e5: {  	s29 =	sadd.s32 $0x2, s24;
	v11 =	vld.idx.msk [tilespmem:v11+s3+$0x0], $0xffff;
	s30 =	sadd.s32 $0x400, s23;
	v4 =	vadd.s32 s25, v0;
	[tilespmem:s23+$0xFFFFFC80] =	vst v3  }
0x2e6: {  	s31 =	sadd.s32 $0x3, s24;
	v8 =	vld.idx.msk [tilespmem:v8+s3+$0x0], $0xffff;
	v3 =	vadd.s32 s29, v0;
	[tilespmem:s30+$0x0] =	vst v1  }
0x2e7: {  	s26 =	sadd.s32 $0x4, s24;
	v9 =	vld.idx.msk [tilespmem:v9+s3+$0x0], $0xffff;
	v1 =	vadd.s32 s31, v0;
	[tilespmem:s30+$0xFFFFFD00] =	vst v2  }
0x2e8: {  	s28 =	sadd.s32 $0x5, s24;
	v7 =	vld.idx.msk [tilespmem:v7+s3+$0x0], $0xffff;
	v2 =	vadd.s32 s26, v0;
	[tilespmem:s30+$0xFFFFFD80] =	vst v6  }
0x2e9: {  	s29 =	sadd.s32 $0x6, s24;
	v6 =	vadd.s32 s28, v0;
	v5 =	vld.idx.msk [tilespmem:v5+s3+$0x0], $0xffff;
	[tilespmem:s30+$0xFFFFFE00] =	vst v10  }
0x2ea: {  	v10 =	vadd.s32 s29, v0;
	[tilespmem:s30+$0xFFFFFE80] =	vst v11;
	v4 =	vld.idx.msk [tilespmem:v4+s3+$0x0], $0xffff  }
0x2eb: {  	v0 =	vadd.s32 s24, v0;
	[tilespmem:s30+$0xFFFFFF00] =	vst v8;
	v3 =	vld.idx.msk [tilespmem:v3+s3+$0x0], $0xffff  }
0x2ec: {  	[tilespmem:s30+$0xFFFFFF80] =	vst v9;
	v1 =	vld.idx.msk [tilespmem:v1+s3+$0x0], $0xffff  }
0x2ed: {  	s23 =	sadd.s32 $0x400, s30;
	[tilespmem:s30+$0xFFFFFC80] =	vst v7;
	v2 =	vld.idx.msk [tilespmem:v2+s3+$0x0], $0xffff  }
0x2ee: {  	v6 =	vld.idx.msk [tilespmem:v6+s3+$0x0], $0xffff;
	[tilespmem:s23+$0x0] =	vst v5  }
0x2ef: {  	v5 =	vld.idx.msk [tilespmem:v10+s3+$0x0], $0xffff;
	[tilespmem:s23+$0xFFFFFD00] =	vst v4  }
0x2f0: {  	v0 =	vld.idx.msk [tilespmem:v0+s3+$0x0], $0xffff;
	[tilespmem:s23+$0xFFFFFD80] =	vst v3  }
0x2f1: {  	[tilespmem:s23+$0xFFFFFE00] =	vst v1  }
0x2f2: {  	[tilespmem:s23+$0xFFFFFE80] =	vst v2  }
0x2f3: {  	[tilespmem:s23+$0xFFFFFF00] =	vst v6  }
0x2f4: {  	[tilespmem:s23+$0xFFFFFF80] =	vst v5  }
0x2f5: {  	[tilespmem:s23+$0xFFFFFC80] =	vst v0  }
0x2f6: {  	v0 =	vld [tilespmem:s22+$0xFE70];
	_ =	sdelay $0x4  }
0x2f7: {  	v0 =	vmul.u32 $0x41, v0  }
0x2f8: {  	s30 =	simm.s32 $0x7  }
0x2f9: {  	s31 =	simm.s32 $0x1;
	v1 =	vadd.s32 s30, v0  }
0x2fa: {  	s24 =	simm.s32 $0x2;
	v2 =	vadd.s32 s31, v0  }
0x2fb: {  	s25 =	simm.s32 $0x3;
	v3 =	vadd.s32 s24, v0  }
0x2fc: {  	s26 =	simm.s32 $0x4;
	v4 =	vadd.s32 s25, v0  }
0x2fd: {  	s28 =	simm.s32 $0x5;
	v5 =	vadd.s32 s26, v0  }
0x2fe: {  	s29 =	simm.s32 $0x6;
	v6 =	vadd.s32 s28, v0;
	v1 =	vld.idx.msk [tilespmem:v1+s3+$0x0], $0xffff  }
0x2ff: {  	v7 =	vadd.s32 s29, v0;
	s31 =	simm.s32 $0xF;
	v2 =	vld.idx.msk [tilespmem:v2+s3+$0x0], $0xffff  }
0x300: {  	s30 =	simm.s32 $0x0;
	v11 =	vadd.s32 s31, v0;
	v9 =	vld.idx.msk [tilespmem:v3+s3+$0x0], $0xffff  }
0x301: {  	s25 =	simm.s32 $0xA;
	v8 =	vadd.s32 s30, v0;
	v12 =	vld.idx.msk [tilespmem:v4+s3+$0x0], $0xffff  }
0x302: {  	s24 =	simm.s32 $0x9;
	v15 =	vadd.s32 s25, v0;
	v14 =	vld.idx.msk [tilespmem:v5+s3+$0x0], $0xffff  }
0x303: {  	s22 =	simm.s32 $0x185F0;
	s26 =	simm.s32 $0xB;
	v13 =	vadd.s32 s24, v0;
	v5 =	vld.idx.msk [tilespmem:v6+s3+$0x0], $0xffff  }
0x304: {  	s28 =	simm.s32 $0xC;
	v10 =	vadd.s32 s26, v0;
	v4 =	vld.idx.msk [tilespmem:v7+s3+$0x0], $0xffff;
	[tilespmem:s22+$0x0] =	vst v1  }
0x305: {  	s29 =	simm.s32 $0xD;
	[tilespmem:s22+$0xFFFFFD00] =	vst v2;
	v1 =	vld.idx.msk [tilespmem:v11+s3+$0x0], $0xffff;
	v11 =	vadd.s32 s28, v0  }
0x306: {  	s31 =	simm.s32 $0xE;
	v3 =	vld.idx.msk [tilespmem:v8+s3+$0x0], $0xffff;
	v8 =	vadd.s32 s29, v0;
	[tilespmem:s22+$0xFFFFFD80] =	vst v9  }
0x307: {  	s30 =	simm.s32 $0x8;
	v6 =	vld.idx.msk [tilespmem:v15+s3+$0x0], $0xffff;
	[tilespmem:s22+$0xFFFFFE00] =	vst v12;
	v9 =	vadd.s32 s31, v0  }
0x308: {  	s23 =	simm.s32 $0x10;
	s25 =	simm.s32 $0x17;
	s24 =	simm.s32 $0x18;
	v7 =	vadd.s32 s30, v0;
	v2 =	vld.idx.msk [tilespmem:v13+s3+$0x0], $0xffff;
	[tilespmem:s22+$0xFFFFFE80] =	vst v14  }
.LBB2_35:
0x309: {  	p0 =	slt.u32 s24, $0x38;
	s26 =	sadd.s32 $0x1, s23;
	v12 =	vadd.s32 s25, v0;
	v13 =	vld.idx.msk [tilespmem:v10+s3+$0x0], $0xffff;
	[tilespmem:s22+$0xFFFFFF00] =	vst v5  }
0x30a: {  	s25 =	sadd.s32 $0x2, s23;
	v14 =	vadd.s32 s26, v0;
	v15 =	vld.idx.msk [tilespmem:v11+s3+$0x0], $0xffff;
	[tilespmem:s22+$0xFFFFFF80] =	vst v4  }
0x30b: {  	v16 =	vadd.s32 s25, v0;
	s25 =	sadd.s32 $0x3, s23;
	v5 =	vld.idx.msk [tilespmem:v8+s3+$0x0], $0xffff;
	[tilespmem:s22+$0xFFFFFC80] =	vst v3;
	s22 =	sadd.s32 $0x400, s22  }
.Ltmp16:
0x30c: {  	v10 =	vadd.s32 s25, v0;
	s25 =	sadd.s32 $0x4, s23;
	v4 =	vld.idx.msk [tilespmem:v9+s3+$0x0], $0xffff;
	[tilespmem:s22+$0x0] =	vst v1;
	(pc) =	sbr.rel @p0 .LBB2_35-.Ltmp16, $4  }
0x30d: {  	v11 =	vadd.s32 s25, v0;
	s25 =	sadd.s32 $0x5, s23;
	v3 =	vld.idx.msk [tilespmem:v7+s3+$0x0], $0xffff;
	[tilespmem:s22+$0xFFFFFD00] =	vst v2  }
0x30e: {  	v8 =	vadd.s32 s25, v0;
	s25 =	sadd.s32 $0x6, s23;
	v1 =	vld.idx.msk [tilespmem:v12+s3+$0x0], $0xffff;
	[tilespmem:s22+$0xFFFFFD80] =	vst v6  }
0x30f: {  	v9 =	vadd.s32 s25, v0;
	v2 =	vld.idx.msk [tilespmem:v14+s3+$0x0], $0xffff;
	[tilespmem:s22+$0xFFFFFE00] =	vst v13  }
0x310: {  	v7 =	vadd.s32 s23, v0;
	s23 =	smov.u32 s24;
	s25 =	sadd.s32 $0x7, s24;
	s24 =	sadd.s32 $0x8, s24;
	v6 =	vld.idx.msk [tilespmem:v16+s3+$0x0], $0xffff;
	[tilespmem:s22+$0xFFFFFE80] =	vst v15  }
0x311: {  	_ =	sdelay $0x2  }
0x312: {  	[tilespmem:s22+$0xFFFFFF00] =	vst v5  }
0x313: {  	v55 =	vadd.s32 s25, v0;
	v10 =	vld.idx.msk [tilespmem:v10+s3+$0x0], $0xffff;
	[tilespmem:s22+$0xFFFFFF80] =	vst v4  }
0x314: {  	s24 =	sadd.s32 $0x1, s23;
	v11 =	vld.idx.msk [tilespmem:v11+s3+$0x0], $0xffff;
	s26 =	sadd.s32 $0x400, s22;
	v62 =	vadd.s32 s23, v0;
	[tilespmem:s22+$0xFFFFFC80] =	vst v3  }
0x315: {  	s25 =	sadd.s32 $0x2, s23;
	v8 =	vld.idx.msk [tilespmem:v8+s3+$0x0], $0xffff;
	v56 =	vadd.s32 s24, v0;
	[tilespmem:s26+$0x0] =	vst v1  }
0x316: {  	s28 =	sadd.s32 $0x3, s23;
	v9 =	vld.idx.msk [tilespmem:v9+s3+$0x0], $0xffff;
	v57 =	vadd.s32 s25, v0;
	[tilespmem:s26+$0xFFFFFD00] =	vst v2  }
0x317: {  	s29 =	sadd.s32 $0x4, s23;
	v7 =	vld.idx.msk [tilespmem:v7+s3+$0x0], $0xffff;
	v58 =	vadd.s32 s28, v0;
	[tilespmem:s26+$0xFFFFFD80] =	vst v6  }
0x318: {  	s30 =	sadd.s32 $0x5, s23;
	s31 =	sadd.s32 $0x6, s23;
	v59 =	vadd.s32 s29, v0;
	v5 =	vld.idx.msk [tilespmem:v55+s3+$0x0], $0xffff;
	[tilespmem:s26+$0xFFFFFE00] =	vst v10  }
0x319: {  	v60 =	vadd.s32 s30, v0;
	v61 =	vadd.s32 s31, v0;
	[tilespmem:s26+$0xFFFFFE80] =	vst v11;
	v0 =	vld.idx.msk [tilespmem:v62+s3+$0x0], $0xffff  }
0x31a: {  	[tilespmem:s26+$0xFFFFFF00] =	vst v8;
	v4 =	vld.idx.msk [tilespmem:v56+s3+$0x0], $0xffff  }
0x31b: {  	[tilespmem:s26+$0xFFFFFF80] =	vst v9;
	v3 =	vld.idx.msk [tilespmem:v57+s3+$0x0], $0xffff  }
0x31c: {  	s22 =	sadd.s32 $0x400, s26;
	[tilespmem:s26+$0xFFFFFC80] =	vst v7;
	v1 =	vld.idx.msk [tilespmem:v58+s3+$0x0], $0xffff  }
0x31d: {  	v2 =	vld.idx.msk [tilespmem:v59+s3+$0x0], $0xffff;
	[tilespmem:s22+$0x0] =	vst v5  }
0x31e: {  	v6 =	vld.idx.msk [tilespmem:v60+s3+$0x0], $0xffff;
	[tilespmem:s22+$0xFFFFFC80] =	vst v0  }
0x31f: {  	s20 =	sadd.s32 $0x1, s20;
	v63 =	vld.idx.msk [tilespmem:v61+s3+$0x0], $0xffff;
	[tilespmem:s22+$0xFFFFFD00] =	vst v4  }
0x320: {  	p0 =	sne.s32 s20, $0x64;
	[tilespmem:s22+$0xFFFFFD80] =	vst v3  }
.Ltmp17:
0x321: {  	s21 =	sshll.u32 s21, $0x12;
	[tilespmem:s22+$0xFFFFFE00] =	vst v1;
	(pc) =	sbr.rel @p0 .LBB2_4-.Ltmp17, $4  }
0x322: {  	s21 =	sor.u32 s6, s21;
	[tilespmem:s22+$0xFFFFFE80] =	vst v2  }
0x323: {  	s21 =	sshrl.u32 s21, $0x3;
	[tilespmem:s22+$0xFFFFFF00] =	vst v6  }
0x324: {  	s21 =	sadd.s32 s2, s21;
	[tilespmem:s22+$0xFFFFFF80] =	vst v63  }
0x325: {  	[hbm4b:s21+s12] =	stream.strided.scatter [tilespmem:s15], [sflag:$0x2], $0x2000, s13, s12, $0x38;
	[tilespmem:$0x1A200] =	vst v63  }
0x326: {  	s18 =	sadd.s32 $0x1, s18  }
0x327: {  	_ =	swait.ge [sflag:s16], $0x2000;
	p0 =	sne.s32 s18, s7  }
.Ltmp18:
0x328: {  	[sflag:s16] =	ssyncset.done $0x0;
	(pc) =	sbr.rel @p0 .LBB2_1-.Ltmp18, $4  }
0x329: {  	[sflag:s16] =	ssyncadd.s32 $0xFFFFE000  }
0x32a: {  	_ =	swait.ge [sflag:s17], $0x2000  }
0x32b: {  	[sflag:s17] =	ssyncset.done $0x0  }
0x32c: {  	[sflag:s17] =	ssyncadd.s32 $0xFFFFE000  }
0x32d: {  	_ =	sfence.sel $0x180000  }
0x32e: {  	[bflag:$0x0] =	sbarrier.arrive $0xFFFF  }
0x32f: {  	p0 =	sne.s32 s1, $0x0;
	_ =	strace $0x90000047  }
0x330: {  	s0 =	sadd.s32 @!p0 $0x100000, s0;
	[bflag:$0x2] =	sbarrier.arrive $0xFFFF  }
0x331: {  	[sflag:s0] =	ssyncadd.tile.s32 @!p0 $0x1;
	_ =	shalt  }
.Lfunc_end2:
_tile_overlayer_lowered:
.L_overlay_start_2:
0x332: {  	(tag) =	ssettag $0x2  }
0x333: {  	s0 =	rddreg [dreg:$0x0];
	s2 =	stileid.u32  }
0x334: {  	s1 =	rddreg [dreg:$0x1];
	p0 =	sne.s32 s2, $0x0  }
0x335: {  	s3 =	rddreg [dreg:$0x2];
	[bflag:$0x3] =	sbarrier.arrive $0xFFFF;
	s2 =	simm.s32 @!p0 $0x1C03  }
0x336: {  	[timem:s3], [sflag:s2] =	dma.local @!p0 [hbm:s0], s1  }
0x337: {  	s0 =	simm.s32 @!p0 $0x3  }
0x338: {  	_ =	swait.ge @!p0 [sflag:s0], s1  }
0x339: {  	s1 =	ssub.s32 @!p0 $0x0, s1;
	[sflag:s0] =	ssyncset.done @!p0 $0x0  }
0x33a: {  	[sflag:s0] =	ssyncadd.s32 @!p0 s1  }
0x33b: {  	[bflag:$0x3] =	sbarrier.arrive $0xFFFF  }
0x33c: {  	_ =	shalt  }

</sc_bundles>
